<compile_context>
chip_gen: v7x
topology: tpu7x:2x2x1
jax: 0.10.2.dev20260603
libtpu: 0.0.44.dev20260713+nightly
codegen_flags: <defaults>
</compile_context>

<pallas_src>
import functools

import jax
import jax.numpy as jnp
from jax import lax
from jax.experimental import pallas as pl
from jax.experimental.pallas import tpu as pltpu
from jax.experimental.pallas import tpu_sc as plsc

_NUM_BINS = 15
_NUM_CLASSES = 19
_LANES = 16
_NC = 2
_NS = 16
_NW = _NC * _NS
_HR = 2
_REP = 305


def _tree_sum(xs):
    xs = list(xs)
    while len(xs) > 1:
        nxt = [a + b for a, b in zip(xs[0::2], xs[1::2])]
        if len(xs) % 2:
            nxt.append(xs[-1])
        xs = nxt
    return xs[0]


def _body(logits_hbm, vf_hbm, out_hbm, in_a, in_b, out_a, out_b, vf_v,
          isem_a, isem_b, osem_a, osem_b):
    C = _NUM_CLASSES
    B, _, H, W = logits_hbm.shape
    wid = lax.axis_index("s") * _NC + lax.axis_index("c")
    pltpu.sync_copy(vf_hbm, vf_v)

    stripes = H // _HR
    slabs = (B * stripes) // _NW
    lane_base = lax.iota(jnp.int32, _LANES) * _REP

    def src_at(t):
        g = wid * slabs + t
        b = g // stripes
        h0 = (g % stripes) * _HR
        return logits_hbm.at[b, :, pl.ds(h0, _HR), :]

    def dst_at(t):
        g = wid * slabs + t
        b = g // stripes
        h0 = (g % stripes) * _HR
        return out_hbm.at[b, :, pl.ds(h0, _HR), :]

    def process(in_v, out_v, hh, off):
        es = [jnp.exp(in_v[c, hh, pl.ds(off, _LANES)]) for c in range(C)]
        r = jnp.float32(_NUM_BINS) / _tree_sum(es)
        cal = []
        for c in range(C):
            bidx = (es[c] * r).astype(jnp.int32) + c * 16
            cal.append(plsc.load_gather(vf_v, [bidx + lane_base]))
        t = _tree_sum(cal)
        t = jnp.where(t == 0.0, jnp.float32(1.0), t)
        it = jnp.float32(1.0) / t
        for c in range(C):
            out_v[c, hh, pl.ds(off, _LANES)] = cal[c] * it

    bufs = ((in_a, out_a, isem_a, osem_a), (in_b, out_b, isem_b, osem_b))

    for p in range(2):
        in_v, _, isem, _ = bufs[p]
        pltpu.async_copy(src_at(p), in_v, isem)

    def pair_body(k, carry):
        for p in range(2):
            in_v, out_v, isem, osem = bufs[p]
            t = k * 2 + p
            pltpu.make_async_copy(src_at(t), in_v, isem).wait()

            @pl.when(t >= 2)
            def _():
                pltpu.make_async_copy(out_v, dst_at(t - 2), osem).wait()

            def h_loop(hh, c2):
                def v_loop(vv, c3):
                    process(in_v, out_v, hh, vv * _LANES)
                    return c3
                lax.fori_loop(0, W // _LANES, v_loop, c2)
                return c2

            lax.fori_loop(0, _HR, h_loop, 0)
            pltpu.async_copy(out_v, dst_at(t), osem)

            @pl.when(t + 2 < slabs)
            def _():
                pltpu.async_copy(src_at(t + 2), in_v, isem)
        return carry

    lax.fori_loop(0, slabs // 2, pair_body, 0)

    for p in range(2):
        _, out_v, _, osem = bufs[p]
        pltpu.make_async_copy(out_v, dst_at(slabs - 2 + p), osem).wait()


def kernel(logits, val_freqs):
    B, C, H, W = logits.shape
    vf = jnp.concatenate([val_freqs, val_freqs[:, -1:]], axis=1).reshape(-1)
    vf = jnp.tile(jnp.pad(vf, (0, _REP - vf.shape[0])), _LANES)

    mesh = plsc.VectorSubcoreMesh(core_axis_name="c", subcore_axis_name="s")
    call = functools.partial(
        pl.kernel,
        out_type=jax.ShapeDtypeStruct((B, C, H, W), jnp.float32),
        mesh=mesh,
        scratch_types=[
            pltpu.VMEM((C, _HR, W), jnp.float32),
            pltpu.VMEM((C, _HR, W), jnp.float32),
            pltpu.VMEM((C, _HR, W), jnp.float32),
            pltpu.VMEM((C, _HR, W), jnp.float32),
            pltpu.VMEM((_REP * _LANES,), jnp.float32),
            pltpu.SemaphoreType.DMA,
            pltpu.SemaphoreType.DMA,
            pltpu.SemaphoreType.DMA,
            pltpu.SemaphoreType.DMA,
        ],
        compiler_params=pltpu.CompilerParams(needs_layout_passes=False),
    )(_body)
    return call(logits, vf)

# --- scband reference (transcript-rebuilt; emitter-appended) ---
"""Pipeline reference for scband-histogram-binning-48782238548320 (READ-ONLY COPY).

The authoritative reference and input builder live on the scoring server;
editing this copy changes nothing except your own understanding.
"""

import jax, jax.numpy as jnp
import numpy as np

NUM_BINS = 15
NUM_CLASSES = 19
NORMALIZE = True


def setup_inputs(seed: int = 0) -> dict:
    key = jax.random.key(seed)
    k1, k2 = jax.random.split(key)
    logits = jax.random.normal(k1, (4, NUM_CLASSES, 512, 512), dtype=jnp.float32) * 2.0
    # val_freqs: per-class, per-bin calibrated frequencies (buffer loaded from stats file in torch)
    val_freqs = jax.random.uniform(k2, (NUM_CLASSES, NUM_BINS), dtype=jnp.float32)
    return {"logits": logits, "val_freqs": val_freqs}


def reference(logits, val_freqs):
    num_bins = val_freqs.shape[1]
    C = logits.shape[1]
    # get_bins(num_prob_bins, 0.0, 1.0): uniform bins over [0, 1]
    bin_starts = jnp.linspace(0.0, 1.0, num_bins + 1, dtype=jnp.float32)[:-1]
    bin_width = jnp.float32(1.0 / num_bins)
    # softmax over class dim
    prob_tensor = jax.nn.softmax(logits, axis=1)
    # get_bin_per_sample: bin ownership per pixel per class (uniform bins -> floor division)
    bin_map = jnp.floor((prob_tensor - bin_starts[0]) / bin_width).astype(jnp.int32)
    bin_map = jnp.clip(bin_map, 0, num_bins - 1)
    # per-class gather: calibrated[:, c, h, w] = val_freqs[c, bin_map[:, c, h, w]]
    cls_idx = jnp.arange(C, dtype=jnp.int32).reshape(1, C, 1, 1)
    calibrated = val_freqs[cls_idx, bin_map]
    if NORMALIZE:
        sum_tensor = jnp.sum(calibrated, axis=1, keepdims=True)
        sum_tensor = jnp.where(sum_tensor == 0, jnp.float32(1.0), sum_tensor)
        return calibrated / sum_tensor
    return calibrated

if __name__ == "__main__":
    import jax
    _d = setup_inputs()
    print(jax.jit(kernel)(*tuple(_d.values())))

</pallas_src>

<mosaic_0001>
#map = affine_map<(d0, d1) -> (0, 0, 0, 0)>
#map1 = affine_map<(d0, d1) -> (0)>
module attributes {stable_mosaic.version = 14 : i64} {
  func.func @_body(%arg0: i32, %arg1: i32, %arg2: memref<4x19x512x512xf32, #tpu.memory_space<hbm>>, %arg3: memref<4880xf32, #tpu.memory_space<hbm>>, %arg4: memref<4x19x512x512xf32, #tpu.memory_space<hbm>>, %arg5: memref<19x2x512xf32, #tpu.memory_space<vmem>>, %arg6: memref<19x2x512xf32, #tpu.memory_space<vmem>>, %arg7: memref<19x2x512xf32, #tpu.memory_space<vmem>>, %arg8: memref<19x2x512xf32, #tpu.memory_space<vmem>>, %arg9: memref<4880xf32, #tpu.memory_space<vmem>>, %arg10: memref<!tpu.dma_semaphore, #tpu.memory_space<semaphore_mem>>, %arg11: memref<!tpu.dma_semaphore, #tpu.memory_space<semaphore_mem>>, %arg12: memref<!tpu.dma_semaphore, #tpu.memory_space<semaphore_mem>>, %arg13: memref<!tpu.dma_semaphore, #tpu.memory_space<semaphore_mem>>) attributes {dimension_semantics = [#tpu.dimension_semantics<core_parallel>, #tpu.dimension_semantics<subcore_parallel>], iteration_bounds = array<i64: 2, 16>, scalar_prefetch = 0 : i64, scratch_operands = 9 : i64, tpu.core_type = #tpu.core_type<sc_vector_subcore>, window_params = [{transform_indices = #map}, {transform_indices = #map1}, {transform_indices = #map}]} {
    %mul3A = arith.constant 2 : i32
    %mul3A_0 = arith.muli %arg1, %mul3A : i32
    %add3A = arith.addi %mul3A_0, %arg0 : i32
    "tpu.region"() ({
      %run_scoped3A = tpu.sem_alloc : memref<!tpu.dma_semaphore, #tpu.memory_space<semaphore_mem>>
      tpu.enqueue_dma source(%arg3 : memref<4880xf32, #tpu.memory_space<hbm>>) target(%arg9 : memref<4880xf32, #tpu.memory_space<vmem>>) target_semaphore(%run_scoped3A : memref<!tpu.dma_semaphore, #tpu.memory_space<semaphore_mem>>)
      tpu.wait_dma2 semaphore(%run_scoped3A : memref<!tpu.dma_semaphore, #tpu.memory_space<semaphore_mem>>) src(%arg3 : memref<4880xf32, #tpu.memory_space<hbm>>) dst(%arg9 : memref<4880xf32, #tpu.memory_space<vmem>>)
      tpu.yield
    }) : () -> ()
    %iota3A = tpu.iota {dimensions = array<i32: 0>} : vector<16xi32>
    %mul3A_1 = arith.constant 305 : i32
    %mul3A_2 = vector.broadcast %mul3A_1 : i32 to vector<16xi32>
    %mul3A_3 = arith.muli %iota3A, %mul3A_2 : vector<16xi32>
    %mul3A_4 = arith.constant 32 : i32
    %mul3A_5 = arith.muli %add3A, %mul3A_4 : i32
    %add3A_6 = arith.constant 0 : i32
    %add3A_7 = arith.addi %mul3A_5, %add3A_6 : i32
    %jit3A = arith.constant 256 : i32
    %div3A = arith.divsi %add3A_7, %jit3A : i32
    %sign3A = arith.constant 0 : i32
    %sign3A_8 = arith.cmpi sgt, %add3A_7, %sign3A : i32
    %sign3A_9 = arith.extui %sign3A_8 : i1 to i32
    %sign3A_10 = arith.constant 0 : i32
    %sign3A_11 = arith.cmpi slt, %add3A_7, %sign3A_10 : i32
    %sign3A_12 = arith.extui %sign3A_11 : i1 to i32
    %sign3A_13 = arith.subi %sign3A_9, %sign3A_12 : i32
    %sign3A_14 = arith.constant 0 : i32
    %sign3A_15 = arith.cmpi sgt, %jit3A, %sign3A_14 : i32
    %sign3A_16 = arith.extui %sign3A_15 : i1 to i32
    %sign3A_17 = arith.constant 0 : i32
    %sign3A_18 = arith.cmpi slt, %jit3A, %sign3A_17 : i32
    %sign3A_19 = arith.extui %sign3A_18 : i1 to i32
    %sign3A_20 = arith.subi %sign3A_16, %sign3A_19 : i32
    %ne3A = arith.cmpi ne, %sign3A_13, %sign3A_20 : i32
    %rem3A = arith.remsi %add3A_7, %jit3A : i32
    %ne3A_21 = arith.constant 0 : i32
    %ne3A_22 = arith.cmpi ne, %rem3A, %ne3A_21 : i32
    %and3A = arith.andi %ne3A, %ne3A_22 : i1
    %sub3A = arith.constant 1 : i32
    %sub3A_23 = arith.subi %div3A, %sub3A : i32
    %select_n3A = arith.select %and3A, %sub3A_23, %div3A : i32
    %jit3A_24 = arith.constant 256 : i32
    %eq3A = arith.constant 0 : i32
    %eq3A_25 = arith.cmpi eq, %jit3A_24, %eq3A : i32
    %jit3A_26 = arith.constant 1 : i32
    %select_n3A_27 = arith.select %eq3A_25, %jit3A_26, %jit3A_24 : i32
    %rem3A_28 = arith.remsi %add3A_7, %select_n3A_27 : i32
    %ne3A_29 = arith.constant 0 : i32
    %ne3A_30 = arith.cmpi ne, %rem3A_28, %ne3A_29 : i32
    %lt3A = arith.constant 0 : i32
    %lt3A_31 = arith.cmpi slt, %rem3A_28, %lt3A : i32
    %lt3A_32 = arith.constant 0 : i32
    %lt3A_33 = arith.cmpi slt, %select_n3A_27, %lt3A_32 : i32
    %ne3A_34 = arith.xori %lt3A_31, %lt3A_33 : i1
    %and3A_35 = arith.andi %ne3A_34, %ne3A_30 : i1
    %add3A_36 = arith.addi %rem3A_28, %select_n3A_27 : i32
    %select_n3A_37 = arith.select %and3A_35, %add3A_36, %rem3A_28 : i32
    %mul3A_38 = arith.constant 2 : i32
    %mul3A_39 = arith.muli %select_n3A_37, %mul3A_38 : i32
    %dma_start3A = arith.constant 0 : i32
    %dma_start3A_40 = arith.constant 0 : i32
    %dma_start3A_41 = tpu.memref_slice %arg2[%select_n3A, %dma_start3A, %mul3A_39, %dma_start3A_40] : memref<4x19x512x512xf32, #tpu.memory_space<hbm>> -> memref<1x19x2x512xf32, #tpu.memory_space<hbm>>
    %dma_start3A_42 = tpu.memref_squeeze %dma_start3A_41 : memref<1x19x2x512xf32, #tpu.memory_space<hbm>> -> memref<19x2x512xf32, #tpu.memory_space<hbm>>
    %dma_start3A_43 = arith.constant 0 : i32
    %dma_start3A_44 = arith.constant 0 : i32
    %dma_start3A_45 = tpu.memref_slice %arg2[%select_n3A, %dma_start3A_43, %mul3A_39, %dma_start3A_44] : memref<4x19x512x512xf32, #tpu.memory_space<hbm>> -> memref<1x19x2x512xf32, #tpu.memory_space<hbm>>
    %dma_start3A_46 = tpu.memref_squeeze %dma_start3A_45 : memref<1x19x2x512xf32, #tpu.memory_space<hbm>> -> memref<19x2x512xf32, #tpu.memory_space<hbm>>
    tpu.enqueue_dma source(%dma_start3A_46 : memref<19x2x512xf32, #tpu.memory_space<hbm>>) target(%arg5 : memref<19x2x512xf32, #tpu.memory_space<vmem>>) target_semaphore(%arg10 : memref<!tpu.dma_semaphore, #tpu.memory_space<semaphore_mem>>)
    %mul3A_47 = arith.constant 32 : i32
    %mul3A_48 = arith.muli %add3A, %mul3A_47 : i32
    %add3A_49 = arith.constant 1 : i32
    %add3A_50 = arith.addi %mul3A_48, %add3A_49 : i32
    %jit3A_51 = arith.constant 256 : i32
    %div3A_52 = arith.divsi %add3A_50, %jit3A_51 : i32
    %sign3A_53 = arith.constant 0 : i32
    %sign3A_54 = arith.cmpi sgt, %add3A_50, %sign3A_53 : i32
    %sign3A_55 = arith.extui %sign3A_54 : i1 to i32
    %sign3A_56 = arith.constant 0 : i32
    %sign3A_57 = arith.cmpi slt, %add3A_50, %sign3A_56 : i32
    %sign3A_58 = arith.extui %sign3A_57 : i1 to i32
    %sign3A_59 = arith.subi %sign3A_55, %sign3A_58 : i32
    %sign3A_60 = arith.constant 0 : i32
    %sign3A_61 = arith.cmpi sgt, %jit3A_51, %sign3A_60 : i32
    %sign3A_62 = arith.extui %sign3A_61 : i1 to i32
    %sign3A_63 = arith.constant 0 : i32
    %sign3A_64 = arith.cmpi slt, %jit3A_51, %sign3A_63 : i32
    %sign3A_65 = arith.extui %sign3A_64 : i1 to i32
    %sign3A_66 = arith.subi %sign3A_62, %sign3A_65 : i32
    %ne3A_67 = arith.cmpi ne, %sign3A_59, %sign3A_66 : i32
    %rem3A_68 = arith.remsi %add3A_50, %jit3A_51 : i32
    %ne3A_69 = arith.constant 0 : i32
    %ne3A_70 = arith.cmpi ne, %rem3A_68, %ne3A_69 : i32
    %and3A_71 = arith.andi %ne3A_67, %ne3A_70 : i1
    %sub3A_72 = arith.constant 1 : i32
    %sub3A_73 = arith.subi %div3A_52, %sub3A_72 : i32
    %select_n3A_74 = arith.select %and3A_71, %sub3A_73, %div3A_52 : i32
    %jit3A_75 = arith.constant 256 : i32
    %eq3A_76 = arith.constant 0 : i32
    %eq3A_77 = arith.cmpi eq, %jit3A_75, %eq3A_76 : i32
    %jit3A_78 = arith.constant 1 : i32
    %select_n3A_79 = arith.select %eq3A_77, %jit3A_78, %jit3A_75 : i32
    %rem3A_80 = arith.remsi %add3A_50, %select_n3A_79 : i32
    %ne3A_81 = arith.constant 0 : i32
    %ne3A_82 = arith.cmpi ne, %rem3A_80, %ne3A_81 : i32
    %lt3A_83 = arith.constant 0 : i32
    %lt3A_84 = arith.cmpi slt, %rem3A_80, %lt3A_83 : i32
    %lt3A_85 = arith.constant 0 : i32
    %lt3A_86 = arith.cmpi slt, %select_n3A_79, %lt3A_85 : i32
    %ne3A_87 = arith.xori %lt3A_84, %lt3A_86 : i1
    %and3A_88 = arith.andi %ne3A_87, %ne3A_82 : i1
    %add3A_89 = arith.addi %rem3A_80, %select_n3A_79 : i32
    %select_n3A_90 = arith.select %and3A_88, %add3A_89, %rem3A_80 : i32
    %mul3A_91 = arith.constant 2 : i32
    %mul3A_92 = arith.muli %select_n3A_90, %mul3A_91 : i32
    %dma_start3A_93 = arith.constant 0 : i32
    %dma_start3A_94 = arith.constant 0 : i32
    %dma_start3A_95 = tpu.memref_slice %arg2[%select_n3A_74, %dma_start3A_93, %mul3A_92, %dma_start3A_94] : memref<4x19x512x512xf32, #tpu.memory_space<hbm>> -> memref<1x19x2x512xf32, #tpu.memory_space<hbm>>
    %dma_start3A_96 = tpu.memref_squeeze %dma_start3A_95 : memref<1x19x2x512xf32, #tpu.memory_space<hbm>> -> memref<19x2x512xf32, #tpu.memory_space<hbm>>
    %dma_start3A_97 = arith.constant 0 : i32
    %dma_start3A_98 = arith.constant 0 : i32
    %dma_start3A_99 = tpu.memref_slice %arg2[%select_n3A_74, %dma_start3A_97, %mul3A_92, %dma_start3A_98] : memref<4x19x512x512xf32, #tpu.memory_space<hbm>> -> memref<1x19x2x512xf32, #tpu.memory_space<hbm>>
    %dma_start3A_100 = tpu.memref_squeeze %dma_start3A_99 : memref<1x19x2x512xf32, #tpu.memory_space<hbm>> -> memref<19x2x512xf32, #tpu.memory_space<hbm>>
    tpu.enqueue_dma source(%dma_start3A_100 : memref<19x2x512xf32, #tpu.memory_space<hbm>>) target(%arg6 : memref<19x2x512xf32, #tpu.memory_space<vmem>>) target_semaphore(%arg11 : memref<!tpu.dma_semaphore, #tpu.memory_space<semaphore_mem>>)
    %scan3A = arith.constant 0 : i32
    %scan3A_101 = arith.constant 0 : i32
    %scan3A_102 = arith.constant 16 : i32
    %scan3A_103 = arith.addi %scan3A_101, %scan3A_102 : i32
    %scan3A_104 = arith.constant 1 : i32
    scf.for %scan3A_213 = %scan3A_101 to %scan3A_103 step %scan3A_104  : i32 {
      %mul3A_214 = arith.constant 2 : i32
      %mul3A_215 = arith.muli %scan3A_213, %mul3A_214 : i32
      %add3A_216 = arith.constant 0 : i32
      %add3A_217 = arith.addi %mul3A_215, %add3A_216 : i32
      %mul3A_218 = arith.constant 32 : i32
      %mul3A_219 = arith.muli %add3A, %mul3A_218 : i32
      %add3A_220 = arith.addi %mul3A_219, %add3A_217 : i32
      %jit3A_221 = arith.constant 256 : i32
      %div3A_222 = arith.divsi %add3A_220, %jit3A_221 : i32
      %sign3A_223 = arith.constant 0 : i32
      %sign3A_224 = arith.cmpi sgt, %add3A_220, %sign3A_223 : i32
      %sign3A_225 = arith.extui %sign3A_224 : i1 to i32
      %sign3A_226 = arith.constant 0 : i32
      %sign3A_227 = arith.cmpi slt, %add3A_220, %sign3A_226 : i32
      %sign3A_228 = arith.extui %sign3A_227 : i1 to i32
      %sign3A_229 = arith.subi %sign3A_225, %sign3A_228 : i32
      %sign3A_230 = arith.constant 0 : i32
      %sign3A_231 = arith.cmpi sgt, %jit3A_221, %sign3A_230 : i32
      %sign3A_232 = arith.extui %sign3A_231 : i1 to i32
      %sign3A_233 = arith.constant 0 : i32
      %sign3A_234 = arith.cmpi slt, %jit3A_221, %sign3A_233 : i32
      %sign3A_235 = arith.extui %sign3A_234 : i1 to i32
      %sign3A_236 = arith.subi %sign3A_232, %sign3A_235 : i32
      %ne3A_237 = arith.cmpi ne, %sign3A_229, %sign3A_236 : i32
      %rem3A_238 = arith.remsi %add3A_220, %jit3A_221 : i32
      %ne3A_239 = arith.constant 0 : i32
      %ne3A_240 = arith.cmpi ne, %rem3A_238, %ne3A_239 : i32
      %and3A_241 = arith.andi %ne3A_237, %ne3A_240 : i1
      %sub3A_242 = arith.constant 1 : i32
      %sub3A_243 = arith.subi %div3A_222, %sub3A_242 : i32
      %select_n3A_244 = arith.select %and3A_241, %sub3A_243, %div3A_222 : i32
      %jit3A_245 = arith.constant 256 : i32
      %eq3A_246 = arith.constant 0 : i32
      %eq3A_247 = arith.cmpi eq, %jit3A_245, %eq3A_246 : i32
      %jit3A_248 = arith.constant 1 : i32
      %select_n3A_249 = arith.select %eq3A_247, %jit3A_248, %jit3A_245 : i32
      %rem3A_250 = arith.remsi %add3A_220, %select_n3A_249 : i32
      %ne3A_251 = arith.constant 0 : i32
      %ne3A_252 = arith.cmpi ne, %rem3A_250, %ne3A_251 : i32
      %lt3A_253 = arith.constant 0 : i32
      %lt3A_254 = arith.cmpi slt, %rem3A_250, %lt3A_253 : i32
      %lt3A_255 = arith.constant 0 : i32
      %lt3A_256 = arith.cmpi slt, %select_n3A_249, %lt3A_255 : i32
      %ne3A_257 = arith.xori %lt3A_254, %lt3A_256 : i1
      %and3A_258 = arith.andi %ne3A_257, %ne3A_252 : i1
      %add3A_259 = arith.addi %rem3A_250, %select_n3A_249 : i32
      %select_n3A_260 = arith.select %and3A_258, %add3A_259, %rem3A_250 : i32
      %mul3A_261 = arith.constant 2 : i32
      %mul3A_262 = arith.muli %select_n3A_260, %mul3A_261 : i32
      %dma_wait3A_263 = arith.constant 0 : i32
      %dma_wait3A_264 = arith.constant 0 : i32
      %dma_wait3A_265 = tpu.memref_slice %arg2[%select_n3A_244, %dma_wait3A_263, %mul3A_262, %dma_wait3A_264] : memref<4x19x512x512xf32, #tpu.memory_space<hbm>> -> memref<1x19x2x512xf32, #tpu.memory_space<hbm>>
      %dma_wait3A_266 = tpu.memref_squeeze %dma_wait3A_265 : memref<1x19x2x512xf32, #tpu.memory_space<hbm>> -> memref<19x2x512xf32, #tpu.memory_space<hbm>>
      %dma_wait3A_267 = arith.constant 0 : i32
      %dma_wait3A_268 = arith.constant 0 : i32
      %dma_wait3A_269 = tpu.memref_slice %arg2[%select_n3A_244, %dma_wait3A_267, %mul3A_262, %dma_wait3A_268] : memref<4x19x512x512xf32, #tpu.memory_space<hbm>> -> memref<1x19x2x512xf32, #tpu.memory_space<hbm>>
      %dma_wait3A_270 = tpu.memref_squeeze %dma_wait3A_269 : memref<1x19x2x512xf32, #tpu.memory_space<hbm>> -> memref<19x2x512xf32, #tpu.memory_space<hbm>>
      tpu.wait_dma2 semaphore(%arg10 : memref<!tpu.dma_semaphore, #tpu.memory_space<semaphore_mem>>) src(%dma_wait3A_270 : memref<19x2x512xf32, #tpu.memory_space<hbm>>) dst(%arg5 : memref<19x2x512xf32, #tpu.memory_space<vmem>>)
      %ge3A = arith.constant 2 : i32
      %ge3A_271 = arith.cmpi sge, %add3A_217, %ge3A : i32
      %convert_element_type3A = arith.extui %ge3A_271 : i1 to i32
      %cond3A = arith.constant 0 : i32
      %cond3A_272 = arith.cmpi ne, %convert_element_type3A, %cond3A : i32
      scf.if %cond3A_272 {
        %sub3A_467 = arith.constant 2 : i32
        %sub3A_468 = arith.subi %add3A_217, %sub3A_467 : i32
        %mul3A_469 = arith.constant 32 : i32
        %mul3A_470 = arith.muli %add3A, %mul3A_469 : i32
        %add3A_471 = arith.addi %mul3A_470, %sub3A_468 : i32
        %jit3A_472 = arith.constant 256 : i32
        %div3A_473 = arith.divsi %add3A_471, %jit3A_472 : i32
        %sign3A_474 = arith.constant 0 : i32
        %sign3A_475 = arith.cmpi sgt, %add3A_471, %sign3A_474 : i32
        %sign3A_476 = arith.extui %sign3A_475 : i1 to i32
        %sign3A_477 = arith.constant 0 : i32
        %sign3A_478 = arith.cmpi slt, %add3A_471, %sign3A_477 : i32
        %sign3A_479 = arith.extui %sign3A_478 : i1 to i32
        %sign3A_480 = arith.subi %sign3A_476, %sign3A_479 : i32
        %sign3A_481 = arith.constant 0 : i32
        %sign3A_482 = arith.cmpi sgt, %jit3A_472, %sign3A_481 : i32
        %sign3A_483 = arith.extui %sign3A_482 : i1 to i32
        %sign3A_484 = arith.constant 0 : i32
        %sign3A_485 = arith.cmpi slt, %jit3A_472, %sign3A_484 : i32
        %sign3A_486 = arith.extui %sign3A_485 : i1 to i32
        %sign3A_487 = arith.subi %sign3A_483, %sign3A_486 : i32
        %ne3A_488 = arith.cmpi ne, %sign3A_480, %sign3A_487 : i32
        %rem3A_489 = arith.remsi %add3A_471, %jit3A_472 : i32
        %ne3A_490 = arith.constant 0 : i32
        %ne3A_491 = arith.cmpi ne, %rem3A_489, %ne3A_490 : i32
        %and3A_492 = arith.andi %ne3A_488, %ne3A_491 : i1
        %sub3A_493 = arith.constant 1 : i32
        %sub3A_494 = arith.subi %div3A_473, %sub3A_493 : i32
        %select_n3A_495 = arith.select %and3A_492, %sub3A_494, %div3A_473 : i32
        %jit3A_496 = arith.constant 256 : i32
        %eq3A_497 = arith.constant 0 : i32
        %eq3A_498 = arith.cmpi eq, %jit3A_496, %eq3A_497 : i32
        %jit3A_499 = arith.constant 1 : i32
        %select_n3A_500 = arith.select %eq3A_498, %jit3A_499, %jit3A_496 : i32
        %rem3A_501 = arith.remsi %add3A_471, %select_n3A_500 : i32
        %ne3A_502 = arith.constant 0 : i32
        %ne3A_503 = arith.cmpi ne, %rem3A_501, %ne3A_502 : i32
        %lt3A_504 = arith.constant 0 : i32
        %lt3A_505 = arith.cmpi slt, %rem3A_501, %lt3A_504 : i32
        %lt3A_506 = arith.constant 0 : i32
        %lt3A_507 = arith.cmpi slt, %select_n3A_500, %lt3A_506 : i32
        %ne3A_508 = arith.xori %lt3A_505, %lt3A_507 : i1
        %and3A_509 = arith.andi %ne3A_508, %ne3A_503 : i1
        %add3A_510 = arith.addi %rem3A_501, %select_n3A_500 : i32
        %select_n3A_511 = arith.select %and3A_509, %add3A_510, %rem3A_501 : i32
        %mul3A_512 = arith.constant 2 : i32
        %mul3A_513 = arith.muli %select_n3A_511, %mul3A_512 : i32
        %dma_wait3A_514 = arith.constant 0 : i32
        %dma_wait3A_515 = arith.constant 0 : i32
        %dma_wait3A_516 = tpu.memref_slice %arg4[%select_n3A_495, %dma_wait3A_514, %mul3A_513, %dma_wait3A_515] : memref<4x19x512x512xf32, #tpu.memory_space<hbm>> -> memref<1x19x2x512xf32, #tpu.memory_space<hbm>>
        %dma_wait3A_517 = tpu.memref_squeeze %dma_wait3A_516 : memref<1x19x2x512xf32, #tpu.memory_space<hbm>> -> memref<19x2x512xf32, #tpu.memory_space<hbm>>
        %dma_wait3A_518 = arith.constant 0 : i32
        %dma_wait3A_519 = arith.constant 0 : i32
        %dma_wait3A_520 = tpu.memref_slice %arg4[%select_n3A_495, %dma_wait3A_518, %mul3A_513, %dma_wait3A_519] : memref<4x19x512x512xf32, #tpu.memory_space<hbm>> -> memref<1x19x2x512xf32, #tpu.memory_space<hbm>>
        %dma_wait3A_521 = tpu.memref_squeeze %dma_wait3A_520 : memref<1x19x2x512xf32, #tpu.memory_space<hbm>> -> memref<19x2x512xf32, #tpu.memory_space<hbm>>
        tpu.wait_dma2 semaphore(%arg12 : memref<!tpu.dma_semaphore, #tpu.memory_space<semaphore_mem>>) src(%arg7 : memref<19x2x512xf32, #tpu.memory_space<vmem>>) dst(%dma_wait3A_521 : memref<19x2x512xf32, #tpu.memory_space<hbm>>)
      } else {
      }
      %scan3A_273 = arith.constant 0 : i32
      %scan3A_274 = arith.constant 0 : i32
      %scan3A_275 = arith.constant 2 : i32
      %scan3A_276 = arith.addi %scan3A_274, %scan3A_275 : i32
      %scan3A_277 = arith.constant 1 : i32
      scf.for %scan3A_467 = %scan3A_274 to %scan3A_276 step %scan3A_277  : i32 {
        %scan3A_468 = arith.constant 0 : i32
        %scan3A_469 = arith.constant 32 : i32
        %scan3A_470 = arith.addi %scan3A_468, %scan3A_469 : i32
        %scan3A_471 = arith.constant 1 : i32
        scf.for %scan3A_473 = %scan3A_468 to %scan3A_470 step %scan3A_471  : i32 {
          %mul3A_474 = arith.constant 16 : i32
          %mul3A_475 = arith.muli %scan3A_473, %mul3A_474 : i32
          %get3A = arith.constant 0 : i32
          %get3A_476 = arith.index_cast %get3A : i32 to index
          %get3A_477 = arith.index_cast %scan3A_467 : i32 to index
          %get3A_478 = arith.index_cast %mul3A_475 : i32 to index
          %get3A_479 = tpu.vector_load %arg5[%get3A_476, %get3A_477, %get3A_478] {strides = array<i32>} : memref<19x2x512xf32, #tpu.memory_space<vmem>>, vector<16xf32>,
          %exp3A = math.exp %get3A_479 : vector<16xf32>
          %get3A_480 = arith.constant 1 : i32
          %get3A_481 = arith.index_cast %get3A_480 : i32 to index
          %get3A_482 = arith.index_cast %scan3A_467 : i32 to index
          %get3A_483 = arith.index_cast %mul3A_475 : i32 to index
          %get3A_484 = tpu.vector_load %arg5[%get3A_481, %get3A_482, %get3A_483] {strides = array<i32>} : memref<19x2x512xf32, #tpu.memory_space<vmem>>, vector<16xf32>,
          %exp3A_485 = math.exp %get3A_484 : vector<16xf32>
          %get3A_486 = arith.constant 2 : i32
          %get3A_487 = arith.index_cast %get3A_486 : i32 to index
          %get3A_488 = arith.index_cast %scan3A_467 : i32 to index
          %get3A_489 = arith.index_cast %mul3A_475 : i32 to index
          %get3A_490 = tpu.vector_load %arg5[%get3A_487, %get3A_488, %get3A_489] {strides = array<i32>} : memref<19x2x512xf32, #tpu.memory_space<vmem>>, vector<16xf32>,
          %exp3A_491 = math.exp %get3A_490 : vector<16xf32>
          %get3A_492 = arith.constant 3 : i32
          %get3A_493 = arith.index_cast %get3A_492 : i32 to index
          %get3A_494 = arith.index_cast %scan3A_467 : i32 to index
          %get3A_495 = arith.index_cast %mul3A_475 : i32 to index
          %get3A_496 = tpu.vector_load %arg5[%get3A_493, %get3A_494, %get3A_495] {strides = array<i32>} : memref<19x2x512xf32, #tpu.memory_space<vmem>>, vector<16xf32>,
          %exp3A_497 = math.exp %get3A_496 : vector<16xf32>
          %get3A_498 = arith.constant 4 : i32
          %get3A_499 = arith.index_cast %get3A_498 : i32 to index
          %get3A_500 = arith.index_cast %scan3A_467 : i32 to index
          %get3A_501 = arith.index_cast %mul3A_475 : i32 to index
          %get3A_502 = tpu.vector_load %arg5[%get3A_499, %get3A_500, %get3A_501] {strides = array<i32>} : memref<19x2x512xf32, #tpu.memory_space<vmem>>, vector<16xf32>,
          %exp3A_503 = math.exp %get3A_502 : vector<16xf32>
          %get3A_504 = arith.constant 5 : i32
          %get3A_505 = arith.index_cast %get3A_504 : i32 to index
          %get3A_506 = arith.index_cast %scan3A_467 : i32 to index
          %get3A_507 = arith.index_cast %mul3A_475 : i32 to index
          %get3A_508 = tpu.vector_load %arg5[%get3A_505, %get3A_506, %get3A_507] {strides = array<i32>} : memref<19x2x512xf32, #tpu.memory_space<vmem>>, vector<16xf32>,
          %exp3A_509 = math.exp %get3A_508 : vector<16xf32>
          %get3A_510 = arith.constant 6 : i32
          %get3A_511 = arith.index_cast %get3A_510 : i32 to index
          %get3A_512 = arith.index_cast %scan3A_467 : i32 to index
          %get3A_513 = arith.index_cast %mul3A_475 : i32 to index
          %get3A_514 = tpu.vector_load %arg5[%get3A_511, %get3A_512, %get3A_513] {strides = array<i32>} : memref<19x2x512xf32, #tpu.memory_space<vmem>>, vector<16xf32>,
          %exp3A_515 = math.exp %get3A_514 : vector<16xf32>
          %get3A_516 = arith.constant 7 : i32
          %get3A_517 = arith.index_cast %get3A_516 : i32 to index
          %get3A_518 = arith.index_cast %scan3A_467 : i32 to index
          %get3A_519 = arith.index_cast %mul3A_475 : i32 to index
          %get3A_520 = tpu.vector_load %arg5[%get3A_517, %get3A_518, %get3A_519] {strides = array<i32>} : memref<19x2x512xf32, #tpu.memory_space<vmem>>, vector<16xf32>,
          %exp3A_521 = math.exp %get3A_520 : vector<16xf32>
          %get3A_522 = arith.constant 8 : i32
          %get3A_523 = arith.index_cast %get3A_522 : i32 to index
          %get3A_524 = arith.index_cast %scan3A_467 : i32 to index
          %get3A_525 = arith.index_cast %mul3A_475 : i32 to index
          %get3A_526 = tpu.vector_load %arg5[%get3A_523, %get3A_524, %get3A_525] {strides = array<i32>} : memref<19x2x512xf32, #tpu.memory_space<vmem>>, vector<16xf32>,
          %exp3A_527 = math.exp %get3A_526 : vector<16xf32>
          %get3A_528 = arith.constant 9 : i32
          %get3A_529 = arith.index_cast %get3A_528 : i32 to index
          %get3A_530 = arith.index_cast %scan3A_467 : i32 to index
          %get3A_531 = arith.index_cast %mul3A_475 : i32 to index
          %get3A_532 = tpu.vector_load %arg5[%get3A_529, %get3A_530, %get3A_531] {strides = array<i32>} : memref<19x2x512xf32, #tpu.memory_space<vmem>>, vector<16xf32>,
          %exp3A_533 = math.exp %get3A_532 : vector<16xf32>
          %get3A_534 = arith.constant 10 : i32
          %get3A_535 = arith.index_cast %get3A_534 : i32 to index
          %get3A_536 = arith.index_cast %scan3A_467 : i32 to index
          %get3A_537 = arith.index_cast %mul3A_475 : i32 to index
          %get3A_538 = tpu.vector_load %arg5[%get3A_535, %get3A_536, %get3A_537] {strides = array<i32>} : memref<19x2x512xf32, #tpu.memory_space<vmem>>, vector<16xf32>,
          %exp3A_539 = math.exp %get3A_538 : vector<16xf32>
          %get3A_540 = arith.constant 11 : i32
          %get3A_541 = arith.index_cast %get3A_540 : i32 to index
          %get3A_542 = arith.index_cast %scan3A_467 : i32 to index
          %get3A_543 = arith.index_cast %mul3A_475 : i32 to index
          %get3A_544 = tpu.vector_load %arg5[%get3A_541, %get3A_542, %get3A_543] {strides = array<i32>} : memref<19x2x512xf32, #tpu.memory_space<vmem>>, vector<16xf32>,
          %exp3A_545 = math.exp %get3A_544 : vector<16xf32>
          %get3A_546 = arith.constant 12 : i32
          %get3A_547 = arith.index_cast %get3A_546 : i32 to index
          %get3A_548 = arith.index_cast %scan3A_467 : i32 to index
          %get3A_549 = arith.index_cast %mul3A_475 : i32 to index
          %get3A_550 = tpu.vector_load %arg5[%get3A_547, %get3A_548, %get3A_549] {strides = array<i32>} : memref<19x2x512xf32, #tpu.memory_space<vmem>>, vector<16xf32>,
          %exp3A_551 = math.exp %get3A_550 : vector<16xf32>
          %get3A_552 = arith.constant 13 : i32
          %get3A_553 = arith.index_cast %get3A_552 : i32 to index
          %get3A_554 = arith.index_cast %scan3A_467 : i32 to index
          %get3A_555 = arith.index_cast %mul3A_475 : i32 to index
          %get3A_556 = tpu.vector_load %arg5[%get3A_553, %get3A_554, %get3A_555] {strides = array<i32>} : memref<19x2x512xf32, #tpu.memory_space<vmem>>, vector<16xf32>,
          %exp3A_557 = math.exp %get3A_556 : vector<16xf32>
          %get3A_558 = arith.constant 14 : i32
          %get3A_559 = arith.index_cast %get3A_558 : i32 to index
          %get3A_560 = arith.index_cast %scan3A_467 : i32 to index
          %get3A_561 = arith.index_cast %mul3A_475 : i32 to index
          %get3A_562 = tpu.vector_load %arg5[%get3A_559, %get3A_560, %get3A_561] {strides = array<i32>} : memref<19x2x512xf32, #tpu.memory_space<vmem>>, vector<16xf32>,
          %exp3A_563 = math.exp %get3A_562 : vector<16xf32>
          %get3A_564 = arith.constant 15 : i32
          %get3A_565 = arith.index_cast %get3A_564 : i32 to index
          %get3A_566 = arith.index_cast %scan3A_467 : i32 to index
          %get3A_567 = arith.index_cast %mul3A_475 : i32 to index
          %get3A_568 = tpu.vector_load %arg5[%get3A_565, %get3A_566, %get3A_567] {strides = array<i32>} : memref<19x2x512xf32, #tpu.memory_space<vmem>>, vector<16xf32>,
          %exp3A_569 = math.exp %get3A_568 : vector<16xf32>
          %get3A_570 = arith.constant 16 : i32
          %get3A_571 = arith.index_cast %get3A_570 : i32 to index
          %get3A_572 = arith.index_cast %scan3A_467 : i32 to index
          %get3A_573 = arith.index_cast %mul3A_475 : i32 to index
          %get3A_574 = tpu.vector_load %arg5[%get3A_571, %get3A_572, %get3A_573] {strides = array<i32>} : memref<19x2x512xf32, #tpu.memory_space<vmem>>, vector<16xf32>,
          %exp3A_575 = math.exp %get3A_574 : vector<16xf32>
          %get3A_576 = arith.constant 17 : i32
          %get3A_577 = arith.index_cast %get3A_576 : i32 to index
          %get3A_578 = arith.index_cast %scan3A_467 : i32 to index
          %get3A_579 = arith.index_cast %mul3A_475 : i32 to index
          %get3A_580 = tpu.vector_load %arg5[%get3A_577, %get3A_578, %get3A_579] {strides = array<i32>} : memref<19x2x512xf32, #tpu.memory_space<vmem>>, vector<16xf32>,
          %exp3A_581 = math.exp %get3A_580 : vector<16xf32>
          %get3A_582 = arith.constant 18 : i32
          %get3A_583 = arith.index_cast %get3A_582 : i32 to index
          %get3A_584 = arith.index_cast %scan3A_467 : i32 to index
          %get3A_585 = arith.index_cast %mul3A_475 : i32 to index
          %get3A_586 = tpu.vector_load %arg5[%get3A_583, %get3A_584, %get3A_585] {strides = array<i32>} : memref<19x2x512xf32, #tpu.memory_space<vmem>>, vector<16xf32>,
          %exp3A_587 = math.exp %get3A_586 : vector<16xf32>
          %add3A_588 = arith.addf %exp3A, %exp3A_485 : vector<16xf32>
          %add3A_589 = arith.addf %exp3A_491, %exp3A_497 : vector<16xf32>
          %add3A_590 = arith.addf %exp3A_503, %exp3A_509 : vector<16xf32>
          %add3A_591 = arith.addf %exp3A_515, %exp3A_521 : vector<16xf32>
          %add3A_592 = arith.addf %exp3A_527, %exp3A_533 : vector<16xf32>
          %add3A_593 = arith.addf %exp3A_539, %exp3A_545 : vector<16xf32>
          %add3A_594 = arith.addf %exp3A_551, %exp3A_557 : vector<16xf32>
          %add3A_595 = arith.addf %exp3A_563, %exp3A_569 : vector<16xf32>
          %add3A_596 = arith.addf %exp3A_575, %exp3A_581 : vector<16xf32>
          %add3A_597 = arith.addf %add3A_588, %add3A_589 : vector<16xf32>
          %add3A_598 = arith.addf %add3A_590, %add3A_591 : vector<16xf32>
          %add3A_599 = arith.addf %add3A_592, %add3A_593 : vector<16xf32>
          %add3A_600 = arith.addf %add3A_594, %add3A_595 : vector<16xf32>
          %add3A_601 = arith.addf %add3A_596, %exp3A_587 : vector<16xf32>
          %add3A_602 = arith.addf %add3A_597, %add3A_598 : vector<16xf32>
          %add3A_603 = arith.addf %add3A_599, %add3A_600 : vector<16xf32>
          %add3A_604 = arith.addf %add3A_602, %add3A_603 : vector<16xf32>
          %add3A_605 = arith.addf %add3A_604, %add3A_601 : vector<16xf32>
          %div3A_606 = arith.constant 1.500000e+01 : f32
          %div3A_607 = vector.broadcast %div3A_606 : f32 to vector<16xf32>
          %div3A_608 = arith.divf %div3A_607, %add3A_605 : vector<16xf32>
          %mul3A_609 = arith.mulf %exp3A, %div3A_608 : vector<16xf32>
          %convert_element_type3A_610 = arith.fptosi %mul3A_609 : vector<16xf32> to vector<16xi32>
          %add3A_611 = arith.constant 0 : i32
          %add3A_612 = vector.broadcast %add3A_611 : i32 to vector<16xi32>
          %add3A_613 = arith.addi %convert_element_type3A_610, %add3A_612 : vector<16xi32>
          %add3A_614 = arith.addi %add3A_613, %mul3A_3 : vector<16xi32>
          %gather3A = tpu.vector_load_idx %arg9[%add3A_614] : memref<4880xf32, #tpu.memory_space<vmem>>[vector<16xi32>], vector<16xf32>,
          %mul3A_615 = arith.mulf %exp3A_485, %div3A_608 : vector<16xf32>
          %convert_element_type3A_616 = arith.fptosi %mul3A_615 : vector<16xf32> to vector<16xi32>
          %add3A_617 = arith.constant 16 : i32
          %add3A_618 = vector.broadcast %add3A_617 : i32 to vector<16xi32>
          %add3A_619 = arith.addi %convert_element_type3A_616, %add3A_618 : vector<16xi32>
          %add3A_620 = arith.addi %add3A_619, %mul3A_3 : vector<16xi32>
          %gather3A_621 = tpu.vector_load_idx %arg9[%add3A_620] : memref<4880xf32, #tpu.memory_space<vmem>>[vector<16xi32>], vector<16xf32>,
          %mul3A_622 = arith.mulf %exp3A_491, %div3A_608 : vector<16xf32>
          %convert_element_type3A_623 = arith.fptosi %mul3A_622 : vector<16xf32> to vector<16xi32>
          %add3A_624 = arith.constant 32 : i32
          %add3A_625 = vector.broadcast %add3A_624 : i32 to vector<16xi32>
          %add3A_626 = arith.addi %convert_element_type3A_623, %add3A_625 : vector<16xi32>
          %add3A_627 = arith.addi %add3A_626, %mul3A_3 : vector<16xi32>
          %gather3A_628 = tpu.vector_load_idx %arg9[%add3A_627] : memref<4880xf32, #tpu.memory_space<vmem>>[vector<16xi32>], vector<16xf32>,
          %mul3A_629 = arith.mulf %exp3A_497, %div3A_608 : vector<16xf32>
          %convert_element_type3A_630 = arith.fptosi %mul3A_629 : vector<16xf32> to vector<16xi32>
          %add3A_631 = arith.constant 48 : i32
          %add3A_632 = vector.broadcast %add3A_631 : i32 to vector<16xi32>
          %add3A_633 = arith.addi %convert_element_type3A_630, %add3A_632 : vector<16xi32>
          %add3A_634 = arith.addi %add3A_633, %mul3A_3 : vector<16xi32>
          %gather3A_635 = tpu.vector_load_idx %arg9[%add3A_634] : memref<4880xf32, #tpu.memory_space<vmem>>[vector<16xi32>], vector<16xf32>,
          %mul3A_636 = arith.mulf %exp3A_503, %div3A_608 : vector<16xf32>
          %convert_element_type3A_637 = arith.fptosi %mul3A_636 : vector<16xf32> to vector<16xi32>
          %add3A_638 = arith.constant 64 : i32
          %add3A_639 = vector.broadcast %add3A_638 : i32 to vector<16xi32>
          %add3A_640 = arith.addi %convert_element_type3A_637, %add3A_639 : vector<16xi32>
          %add3A_641 = arith.addi %add3A_640, %mul3A_3 : vector<16xi32>
          %gather3A_642 = tpu.vector_load_idx %arg9[%add3A_641] : memref<4880xf32, #tpu.memory_space<vmem>>[vector<16xi32>], vector<16xf32>,
          %mul3A_643 = arith.mulf %exp3A_509, %div3A_608 : vector<16xf32>
          %convert_element_type3A_644 = arith.fptosi %mul3A_643 : vector<16xf32> to vector<16xi32>
          %add3A_645 = arith.constant 80 : i32
          %add3A_646 = vector.broadcast %add3A_645 : i32 to vector<16xi32>
          %add3A_647 = arith.addi %convert_element_type3A_644, %add3A_646 : vector<16xi32>
          %add3A_648 = arith.addi %add3A_647, %mul3A_3 : vector<16xi32>
          %gather3A_649 = tpu.vector_load_idx %arg9[%add3A_648] : memref<4880xf32, #tpu.memory_space<vmem>>[vector<16xi32>], vector<16xf32>,
          %mul3A_650 = arith.mulf %exp3A_515, %div3A_608 : vector<16xf32>
          %convert_element_type3A_651 = arith.fptosi %mul3A_650 : vector<16xf32> to vector<16xi32>
          %add3A_652 = arith.constant 96 : i32
          %add3A_653 = vector.broadcast %add3A_652 : i32 to vector<16xi32>
          %add3A_654 = arith.addi %convert_element_type3A_651, %add3A_653 : vector<16xi32>
          %add3A_655 = arith.addi %add3A_654, %mul3A_3 : vector<16xi32>
          %gather3A_656 = tpu.vector_load_idx %arg9[%add3A_655] : memref<4880xf32, #tpu.memory_space<vmem>>[vector<16xi32>], vector<16xf32>,
          %mul3A_657 = arith.mulf %exp3A_521, %div3A_608 : vector<16xf32>
          %convert_element_type3A_658 = arith.fptosi %mul3A_657 : vector<16xf32> to vector<16xi32>
          %add3A_659 = arith.constant 112 : i32
          %add3A_660 = vector.broadcast %add3A_659 : i32 to vector<16xi32>
          %add3A_661 = arith.addi %convert_element_type3A_658, %add3A_660 : vector<16xi32>
          %add3A_662 = arith.addi %add3A_661, %mul3A_3 : vector<16xi32>
          %gather3A_663 = tpu.vector_load_idx %arg9[%add3A_662] : memref<4880xf32, #tpu.memory_space<vmem>>[vector<16xi32>], vector<16xf32>,
          %mul3A_664 = arith.mulf %exp3A_527, %div3A_608 : vector<16xf32>
          %convert_element_type3A_665 = arith.fptosi %mul3A_664 : vector<16xf32> to vector<16xi32>
          %add3A_666 = arith.constant 128 : i32
          %add3A_667 = vector.broadcast %add3A_666 : i32 to vector<16xi32>
          %add3A_668 = arith.addi %convert_element_type3A_665, %add3A_667 : vector<16xi32>
          %add3A_669 = arith.addi %add3A_668, %mul3A_3 : vector<16xi32>
          %gather3A_670 = tpu.vector_load_idx %arg9[%add3A_669] : memref<4880xf32, #tpu.memory_space<vmem>>[vector<16xi32>], vector<16xf32>,
          %mul3A_671 = arith.mulf %exp3A_533, %div3A_608 : vector<16xf32>
          %convert_element_type3A_672 = arith.fptosi %mul3A_671 : vector<16xf32> to vector<16xi32>
          %add3A_673 = arith.constant 144 : i32
          %add3A_674 = vector.broadcast %add3A_673 : i32 to vector<16xi32>
          %add3A_675 = arith.addi %convert_element_type3A_672, %add3A_674 : vector<16xi32>
          %add3A_676 = arith.addi %add3A_675, %mul3A_3 : vector<16xi32>
          %gather3A_677 = tpu.vector_load_idx %arg9[%add3A_676] : memref<4880xf32, #tpu.memory_space<vmem>>[vector<16xi32>], vector<16xf32>,
          %mul3A_678 = arith.mulf %exp3A_539, %div3A_608 : vector<16xf32>
          %convert_element_type3A_679 = arith.fptosi %mul3A_678 : vector<16xf32> to vector<16xi32>
          %add3A_680 = arith.constant 160 : i32
          %add3A_681 = vector.broadcast %add3A_680 : i32 to vector<16xi32>
          %add3A_682 = arith.addi %convert_element_type3A_679, %add3A_681 : vector<16xi32>
          %add3A_683 = arith.addi %add3A_682, %mul3A_3 : vector<16xi32>
          %gather3A_684 = tpu.vector_load_idx %arg9[%add3A_683] : memref<4880xf32, #tpu.memory_space<vmem>>[vector<16xi32>], vector<16xf32>,
          %mul3A_685 = arith.mulf %exp3A_545, %div3A_608 : vector<16xf32>
          %convert_element_type3A_686 = arith.fptosi %mul3A_685 : vector<16xf32> to vector<16xi32>
          %add3A_687 = arith.constant 176 : i32
          %add3A_688 = vector.broadcast %add3A_687 : i32 to vector<16xi32>
          %add3A_689 = arith.addi %convert_element_type3A_686, %add3A_688 : vector<16xi32>
          %add3A_690 = arith.addi %add3A_689, %mul3A_3 : vector<16xi32>
          %gather3A_691 = tpu.vector_load_idx %arg9[%add3A_690] : memref<4880xf32, #tpu.memory_space<vmem>>[vector<16xi32>], vector<16xf32>,
          %mul3A_692 = arith.mulf %exp3A_551, %div3A_608 : vector<16xf32>
          %convert_element_type3A_693 = arith.fptosi %mul3A_692 : vector<16xf32> to vector<16xi32>
          %add3A_694 = arith.constant 192 : i32
          %add3A_695 = vector.broadcast %add3A_694 : i32 to vector<16xi32>
          %add3A_696 = arith.addi %convert_element_type3A_693, %add3A_695 : vector<16xi32>
          %add3A_697 = arith.addi %add3A_696, %mul3A_3 : vector<16xi32>
          %gather3A_698 = tpu.vector_load_idx %arg9[%add3A_697] : memref<4880xf32, #tpu.memory_space<vmem>>[vector<16xi32>], vector<16xf32>,
          %mul3A_699 = arith.mulf %exp3A_557, %div3A_608 : vector<16xf32>
          %convert_element_type3A_700 = arith.fptosi %mul3A_699 : vector<16xf32> to vector<16xi32>
          %add3A_701 = arith.constant 208 : i32
          %add3A_702 = vector.broadcast %add3A_701 : i32 to vector<16xi32>
          %add3A_703 = arith.addi %convert_element_type3A_700, %add3A_702 : vector<16xi32>
          %add3A_704 = arith.addi %add3A_703, %mul3A_3 : vector<16xi32>
          %gather3A_705 = tpu.vector_load_idx %arg9[%add3A_704] : memref<4880xf32, #tpu.memory_space<vmem>>[vector<16xi32>], vector<16xf32>,
          %mul3A_706 = arith.mulf %exp3A_563, %div3A_608 : vector<16xf32>
          %convert_element_type3A_707 = arith.fptosi %mul3A_706 : vector<16xf32> to vector<16xi32>
          %add3A_708 = arith.constant 224 : i32
          %add3A_709 = vector.broadcast %add3A_708 : i32 to vector<16xi32>
          %add3A_710 = arith.addi %convert_element_type3A_707, %add3A_709 : vector<16xi32>
          %add3A_711 = arith.addi %add3A_710, %mul3A_3 : vector<16xi32>
          %gather3A_712 = tpu.vector_load_idx %arg9[%add3A_711] : memref<4880xf32, #tpu.memory_space<vmem>>[vector<16xi32>], vector<16xf32>,
          %mul3A_713 = arith.mulf %exp3A_569, %div3A_608 : vector<16xf32>
          %convert_element_type3A_714 = arith.fptosi %mul3A_713 : vector<16xf32> to vector<16xi32>
          %add3A_715 = arith.constant 240 : i32
          %add3A_716 = vector.broadcast %add3A_715 : i32 to vector<16xi32>
          %add3A_717 = arith.addi %convert_element_type3A_714, %add3A_716 : vector<16xi32>
          %add3A_718 = arith.addi %add3A_717, %mul3A_3 : vector<16xi32>
          %gather3A_719 = tpu.vector_load_idx %arg9[%add3A_718] : memref<4880xf32, #tpu.memory_space<vmem>>[vector<16xi32>], vector<16xf32>,
          %mul3A_720 = arith.mulf %exp3A_575, %div3A_608 : vector<16xf32>
          %convert_element_type3A_721 = arith.fptosi %mul3A_720 : vector<16xf32> to vector<16xi32>
          %add3A_722 = arith.constant 256 : i32
          %add3A_723 = vector.broadcast %add3A_722 : i32 to vector<16xi32>
          %add3A_724 = arith.addi %convert_element_type3A_721, %add3A_723 : vector<16xi32>
          %add3A_725 = arith.addi %add3A_724, %mul3A_3 : vector<16xi32>
          %gather3A_726 = tpu.vector_load_idx %arg9[%add3A_725] : memref<4880xf32, #tpu.memory_space<vmem>>[vector<16xi32>], vector<16xf32>,
          %mul3A_727 = arith.mulf %exp3A_581, %div3A_608 : vector<16xf32>
          %convert_element_type3A_728 = arith.fptosi %mul3A_727 : vector<16xf32> to vector<16xi32>
          %add3A_729 = arith.constant 272 : i32
          %add3A_730 = vector.broadcast %add3A_729 : i32 to vector<16xi32>
          %add3A_731 = arith.addi %convert_element_type3A_728, %add3A_730 : vector<16xi32>
          %add3A_732 = arith.addi %add3A_731, %mul3A_3 : vector<16xi32>
          %gather3A_733 = tpu.vector_load_idx %arg9[%add3A_732] : memref<4880xf32, #tpu.memory_space<vmem>>[vector<16xi32>], vector<16xf32>,
          %mul3A_734 = arith.mulf %exp3A_587, %div3A_608 : vector<16xf32>
          %convert_element_type3A_735 = arith.fptosi %mul3A_734 : vector<16xf32> to vector<16xi32>
          %add3A_736 = arith.constant 288 : i32
          %add3A_737 = vector.broadcast %add3A_736 : i32 to vector<16xi32>
          %add3A_738 = arith.addi %convert_element_type3A_735, %add3A_737 : vector<16xi32>
          %add3A_739 = arith.addi %add3A_738, %mul3A_3 : vector<16xi32>
          %gather3A_740 = tpu.vector_load_idx %arg9[%add3A_739] : memref<4880xf32, #tpu.memory_space<vmem>>[vector<16xi32>], vector<16xf32>,
          %add3A_741 = arith.addf %gather3A, %gather3A_621 : vector<16xf32>
          %add3A_742 = arith.addf %gather3A_628, %gather3A_635 : vector<16xf32>
          %add3A_743 = arith.addf %gather3A_642, %gather3A_649 : vector<16xf32>
          %add3A_744 = arith.addf %gather3A_656, %gather3A_663 : vector<16xf32>
          %add3A_745 = arith.addf %gather3A_670, %gather3A_677 : vector<16xf32>
          %add3A_746 = arith.addf %gather3A_684, %gather3A_691 : vector<16xf32>
          %add3A_747 = arith.addf %gather3A_698, %gather3A_705 : vector<16xf32>
          %add3A_748 = arith.addf %gather3A_712, %gather3A_719 : vector<16xf32>
          %add3A_749 = arith.addf %gather3A_726, %gather3A_733 : vector<16xf32>
          %add3A_750 = arith.addf %add3A_741, %add3A_742 : vector<16xf32>
          %add3A_751 = arith.addf %add3A_743, %add3A_744 : vector<16xf32>
          %add3A_752 = arith.addf %add3A_745, %add3A_746 : vector<16xf32>
          %add3A_753 = arith.addf %add3A_747, %add3A_748 : vector<16xf32>
          %add3A_754 = arith.addf %add3A_749, %gather3A_740 : vector<16xf32>
          %add3A_755 = arith.addf %add3A_750, %add3A_751 : vector<16xf32>
          %add3A_756 = arith.addf %add3A_752, %add3A_753 : vector<16xf32>
          %add3A_757 = arith.addf %add3A_755, %add3A_756 : vector<16xf32>
          %add3A_758 = arith.addf %add3A_757, %add3A_754 : vector<16xf32>
          %eq3A_759 = arith.constant 0.000000e+00 : f32
          %eq3A_760 = vector.broadcast %eq3A_759 : f32 to vector<16xf32>
          %eq3A_761 = arith.cmpf oeq, %add3A_758, %eq3A_760 : vector<16xf32>
          %jit3A_762 = arith.constant 1.000000e+00 : f32
          %broadcast_in_dim3A = vector.broadcast %jit3A_762 : f32 to vector<16xf32>
          %select_n3A_763 = arith.select %eq3A_761, %broadcast_in_dim3A, %add3A_758 : vector<16xi1>, vector<16xf32>
          %div3A_764 = arith.constant 1.000000e+00 : f32
          %div3A_765 = vector.broadcast %div3A_764 : f32 to vector<16xf32>
          %div3A_766 = arith.divf %div3A_765, %select_n3A_763 : vector<16xf32>
          %mul3A_767 = arith.mulf %gather3A, %div3A_766 : vector<16xf32>
          %swap3A = arith.constant 0 : i32
          %swap3A_768 = arith.index_cast %swap3A : i32 to index
          %swap3A_769 = arith.index_cast %scan3A_467 : i32 to index
          %swap3A_770 = arith.index_cast %mul3A_475 : i32 to index
          %swap3A_771 = tpu.vector_load %arg7[%swap3A_768, %swap3A_769, %swap3A_770] {strides = array<i32>} : memref<19x2x512xf32, #tpu.memory_space<vmem>>, vector<16xf32>,
          tpu.vector_store %arg7[%swap3A_768, %swap3A_769, %swap3A_770], %mul3A_767 {strides = array<i32>} : memref<19x2x512xf32, #tpu.memory_space<vmem>>, vector<16xf32>,
          %mul3A_772 = arith.mulf %gather3A_621, %div3A_766 : vector<16xf32>
          %swap3A_773 = arith.constant 1 : i32
          %swap3A_774 = arith.index_cast %swap3A_773 : i32 to index
          %swap3A_775 = arith.index_cast %scan3A_467 : i32 to index
          %swap3A_776 = arith.index_cast %mul3A_475 : i32 to index
          %swap3A_777 = tpu.vector_load %arg7[%swap3A_774, %swap3A_775, %swap3A_776] {strides = array<i32>} : memref<19x2x512xf32, #tpu.memory_space<vmem>>, vector<16xf32>,
          tpu.vector_store %arg7[%swap3A_774, %swap3A_775, %swap3A_776], %mul3A_772 {strides = array<i32>} : memref<19x2x512xf32, #tpu.memory_space<vmem>>, vector<16xf32>,
          %mul3A_778 = arith.mulf %gather3A_628, %div3A_766 : vector<16xf32>
          %swap3A_779 = arith.constant 2 : i32
          %swap3A_780 = arith.index_cast %swap3A_779 : i32 to index
          %swap3A_781 = arith.index_cast %scan3A_467 : i32 to index
          %swap3A_782 = arith.index_cast %mul3A_475 : i32 to index
          %swap3A_783 = tpu.vector_load %arg7[%swap3A_780, %swap3A_781, %swap3A_782] {strides = array<i32>} : memref<19x2x512xf32, #tpu.memory_space<vmem>>, vector<16xf32>,
          tpu.vector_store %arg7[%swap3A_780, %swap3A_781, %swap3A_782], %mul3A_778 {strides = array<i32>} : memref<19x2x512xf32, #tpu.memory_space<vmem>>, vector<16xf32>,
          %mul3A_784 = arith.mulf %gather3A_635, %div3A_766 : vector<16xf32>
          %swap3A_785 = arith.constant 3 : i32
          %swap3A_786 = arith.index_cast %swap3A_785 : i32 to index
          %swap3A_787 = arith.index_cast %scan3A_467 : i32 to index
          %swap3A_788 = arith.index_cast %mul3A_475 : i32 to index
          %swap3A_789 = tpu.vector_load %arg7[%swap3A_786, %swap3A_787, %swap3A_788] {strides = array<i32>} : memref<19x2x512xf32, #tpu.memory_space<vmem>>, vector<16xf32>,
          tpu.vector_store %arg7[%swap3A_786, %swap3A_787, %swap3A_788], %mul3A_784 {strides = array<i32>} : memref<19x2x512xf32, #tpu.memory_space<vmem>>, vector<16xf32>,
          %mul3A_790 = arith.mulf %gather3A_642, %div3A_766 : vector<16xf32>
          %swap3A_791 = arith.constant 4 : i32
          %swap3A_792 = arith.index_cast %swap3A_791 : i32 to index
          %swap3A_793 = arith.index_cast %scan3A_467 : i32 to index
          %swap3A_794 = arith.index_cast %mul3A_475 : i32 to index
          %swap3A_795 = tpu.vector_load %arg7[%swap3A_792, %swap3A_793, %swap3A_794] {strides = array<i32>} : memref<19x2x512xf32, #tpu.memory_space<vmem>>, vector<16xf32>,
          tpu.vector_store %arg7[%swap3A_792, %swap3A_793, %swap3A_794], %mul3A_790 {strides = array<i32>} : memref<19x2x512xf32, #tpu.memory_space<vmem>>, vector<16xf32>,
          %mul3A_796 = arith.mulf %gather3A_649, %div3A_766 : vector<16xf32>
          %swap3A_797 = arith.constant 5 : i32
          %swap3A_798 = arith.index_cast %swap3A_797 : i32 to index
          %swap3A_799 = arith.index_cast %scan3A_467 : i32 to index
          %swap3A_800 = arith.index_cast %mul3A_475 : i32 to index
          %swap3A_801 = tpu.vector_load %arg7[%swap3A_798, %swap3A_799, %swap3A_800] {strides = array<i32>} : memref<19x2x512xf32, #tpu.memory_space<vmem>>, vector<16xf32>,
          tpu.vector_store %arg7[%swap3A_798, %swap3A_799, %swap3A_800], %mul3A_796 {strides = array<i32>} : memref<19x2x512xf32, #tpu.memory_space<vmem>>, vector<16xf32>,
          %mul3A_802 = arith.mulf %gather3A_656, %div3A_766 : vector<16xf32>
          %swap3A_803 = arith.constant 6 : i32
          %swap3A_804 = arith.index_cast %swap3A_803 : i32 to index
          %swap3A_805 = arith.index_cast %scan3A_467 : i32 to index
          %swap3A_806 = arith.index_cast %mul3A_475 : i32 to index
          %swap3A_807 = tpu.vector_load %arg7[%swap3A_804, %swap3A_805, %swap3A_806] {strides = array<i32>} : memref<19x2x512xf32, #tpu.memory_space<vmem>>, vector<16xf32>,
          tpu.vector_store %arg7[%swap3A_804, %swap3A_805, %swap3A_806], %mul3A_802 {strides = array<i32>} : memref<19x2x512xf32, #tpu.memory_space<vmem>>, vector<16xf32>,
          %mul3A_808 = arith.mulf %gather3A_663, %div3A_766 : vector<16xf32>
          %swap3A_809 = arith.constant 7 : i32
          %swap3A_810 = arith.index_cast %swap3A_809 : i32 to index
          %swap3A_811 = arith.index_cast %scan3A_467 : i32 to index
          %swap3A_812 = arith.index_cast %mul3A_475 : i32 to index
          %swap3A_813 = tpu.vector_load %arg7[%swap3A_810, %swap3A_811, %swap3A_812] {strides = array<i32>} : memref<19x2x512xf32, #tpu.memory_space<vmem>>, vector<16xf32>,
          tpu.vector_store %arg7[%swap3A_810, %swap3A_811, %swap3A_812], %mul3A_808 {strides = array<i32>} : memref<19x2x512xf32, #tpu.memory_space<vmem>>, vector<16xf32>,
          %mul3A_814 = arith.mulf %gather3A_670, %div3A_766 : vector<16xf32>
          %swap3A_815 = arith.constant 8 : i32
          %swap3A_816 = arith.index_cast %swap3A_815 : i32 to index
          %swap3A_817 = arith.index_cast %scan3A_467 : i32 to index
          %swap3A_818 = arith.index_cast %mul3A_475 : i32 to index
          %swap3A_819 = tpu.vector_load %arg7[%swap3A_816, %swap3A_817, %swap3A_818] {strides = array<i32>} : memref<19x2x512xf32, #tpu.memory_space<vmem>>, vector<16xf32>,
          tpu.vector_store %arg7[%swap3A_816, %swap3A_817, %swap3A_818], %mul3A_814 {strides = array<i32>} : memref<19x2x512xf32, #tpu.memory_space<vmem>>, vector<16xf32>,
          %mul3A_820 = arith.mulf %gather3A_677, %div3A_766 : vector<16xf32>
          %swap3A_821 = arith.constant 9 : i32
          %swap3A_822 = arith.index_cast %swap3A_821 : i32 to index
          %swap3A_823 = arith.index_cast %scan3A_467 : i32 to index
          %swap3A_824 = arith.index_cast %mul3A_475 : i32 to index
          %swap3A_825 = tpu.vector_load %arg7[%swap3A_822, %swap3A_823, %swap3A_824] {strides = array<i32>} : memref<19x2x512xf32, #tpu.memory_space<vmem>>, vector<16xf32>,
          tpu.vector_store %arg7[%swap3A_822, %swap3A_823, %swap3A_824], %mul3A_820 {strides = array<i32>} : memref<19x2x512xf32, #tpu.memory_space<vmem>>, vector<16xf32>,
          %mul3A_826 = arith.mulf %gather3A_684, %div3A_766 : vector<16xf32>
          %swap3A_827 = arith.constant 10 : i32
          %swap3A_828 = arith.index_cast %swap3A_827 : i32 to index
          %swap3A_829 = arith.index_cast %scan3A_467 : i32 to index
          %swap3A_830 = arith.index_cast %mul3A_475 : i32 to index
          %swap3A_831 = tpu.vector_load %arg7[%swap3A_828, %swap3A_829, %swap3A_830] {strides = array<i32>} : memref<19x2x512xf32, #tpu.memory_space<vmem>>, vector<16xf32>,
          tpu.vector_store %arg7[%swap3A_828, %swap3A_829, %swap3A_830], %mul3A_826 {strides = array<i32>} : memref<19x2x512xf32, #tpu.memory_space<vmem>>, vector<16xf32>,
          %mul3A_832 = arith.mulf %gather3A_691, %div3A_766 : vector<16xf32>
          %swap3A_833 = arith.constant 11 : i32
          %swap3A_834 = arith.index_cast %swap3A_833 : i32 to index
          %swap3A_835 = arith.index_cast %scan3A_467 : i32 to index
          %swap3A_836 = arith.index_cast %mul3A_475 : i32 to index
          %swap3A_837 = tpu.vector_load %arg7[%swap3A_834, %swap3A_835, %swap3A_836] {strides = array<i32>} : memref<19x2x512xf32, #tpu.memory_space<vmem>>, vector<16xf32>,
          tpu.vector_store %arg7[%swap3A_834, %swap3A_835, %swap3A_836], %mul3A_832 {strides = array<i32>} : memref<19x2x512xf32, #tpu.memory_space<vmem>>, vector<16xf32>,
          %mul3A_838 = arith.mulf %gather3A_698, %div3A_766 : vector<16xf32>
          %swap3A_839 = arith.constant 12 : i32
          %swap3A_840 = arith.index_cast %swap3A_839 : i32 to index
          %swap3A_841 = arith.index_cast %scan3A_467 : i32 to index
          %swap3A_842 = arith.index_cast %mul3A_475 : i32 to index
          %swap3A_843 = tpu.vector_load %arg7[%swap3A_840, %swap3A_841, %swap3A_842] {strides = array<i32>} : memref<19x2x512xf32, #tpu.memory_space<vmem>>, vector<16xf32>,
          tpu.vector_store %arg7[%swap3A_840, %swap3A_841, %swap3A_842], %mul3A_838 {strides = array<i32>} : memref<19x2x512xf32, #tpu.memory_space<vmem>>, vector<16xf32>,
          %mul3A_844 = arith.mulf %gather3A_705, %div3A_766 : vector<16xf32>
          %swap3A_845 = arith.constant 13 : i32
          %swap3A_846 = arith.index_cast %swap3A_845 : i32 to index
          %swap3A_847 = arith.index_cast %scan3A_467 : i32 to index
          %swap3A_848 = arith.index_cast %mul3A_475 : i32 to index
          %swap3A_849 = tpu.vector_load %arg7[%swap3A_846, %swap3A_847, %swap3A_848] {strides = array<i32>} : memref<19x2x512xf32, #tpu.memory_space<vmem>>, vector<16xf32>,
          tpu.vector_store %arg7[%swap3A_846, %swap3A_847, %swap3A_848], %mul3A_844 {strides = array<i32>} : memref<19x2x512xf32, #tpu.memory_space<vmem>>, vector<16xf32>,
          %mul3A_850 = arith.mulf %gather3A_712, %div3A_766 : vector<16xf32>
          %swap3A_851 = arith.constant 14 : i32
          %swap3A_852 = arith.index_cast %swap3A_851 : i32 to index
          %swap3A_853 = arith.index_cast %scan3A_467 : i32 to index
          %swap3A_854 = arith.index_cast %mul3A_475 : i32 to index
          %swap3A_855 = tpu.vector_load %arg7[%swap3A_852, %swap3A_853, %swap3A_854] {strides = array<i32>} : memref<19x2x512xf32, #tpu.memory_space<vmem>>, vector<16xf32>,
          tpu.vector_store %arg7[%swap3A_852, %swap3A_853, %swap3A_854], %mul3A_850 {strides = array<i32>} : memref<19x2x512xf32, #tpu.memory_space<vmem>>, vector<16xf32>,
          %mul3A_856 = arith.mulf %gather3A_719, %div3A_766 : vector<16xf32>
          %swap3A_857 = arith.constant 15 : i32
          %swap3A_858 = arith.index_cast %swap3A_857 : i32 to index
          %swap3A_859 = arith.index_cast %scan3A_467 : i32 to index
          %swap3A_860 = arith.index_cast %mul3A_475 : i32 to index
          %swap3A_861 = tpu.vector_load %arg7[%swap3A_858, %swap3A_859, %swap3A_860] {strides = array<i32>} : memref<19x2x512xf32, #tpu.memory_space<vmem>>, vector<16xf32>,
          tpu.vector_store %arg7[%swap3A_858, %swap3A_859, %swap3A_860], %mul3A_856 {strides = array<i32>} : memref<19x2x512xf32, #tpu.memory_space<vmem>>, vector<16xf32>,
          %mul3A_862 = arith.mulf %gather3A_726, %div3A_766 : vector<16xf32>
          %swap3A_863 = arith.constant 16 : i32
          %swap3A_864 = arith.index_cast %swap3A_863 : i32 to index
          %swap3A_865 = arith.index_cast %scan3A_467 : i32 to index
          %swap3A_866 = arith.index_cast %mul3A_475 : i32 to index
          %swap3A_867 = tpu.vector_load %arg7[%swap3A_864, %swap3A_865, %swap3A_866] {strides = array<i32>} : memref<19x2x512xf32, #tpu.memory_space<vmem>>, vector<16xf32>,
          tpu.vector_store %arg7[%swap3A_864, %swap3A_865, %swap3A_866], %mul3A_862 {strides = array<i32>} : memref<19x2x512xf32, #tpu.memory_space<vmem>>, vector<16xf32>,
          %mul3A_868 = arith.mulf %gather3A_733, %div3A_766 : vector<16xf32>
          %swap3A_869 = arith.constant 17 : i32
          %swap3A_870 = arith.index_cast %swap3A_869 : i32 to index
          %swap3A_871 = arith.index_cast %scan3A_467 : i32 to index
          %swap3A_872 = arith.index_cast %mul3A_475 : i32 to index
          %swap3A_873 = tpu.vector_load %arg7[%swap3A_870, %swap3A_871, %swap3A_872] {strides = array<i32>} : memref<19x2x512xf32, #tpu.memory_space<vmem>>, vector<16xf32>,
          tpu.vector_store %arg7[%swap3A_870, %swap3A_871, %swap3A_872], %mul3A_868 {strides = array<i32>} : memref<19x2x512xf32, #tpu.memory_space<vmem>>, vector<16xf32>,
          %mul3A_874 = arith.mulf %gather3A_740, %div3A_766 : vector<16xf32>
          %swap3A_875 = arith.constant 18 : i32
          %swap3A_876 = arith.index_cast %swap3A_875 : i32 to index
          %swap3A_877 = arith.index_cast %scan3A_467 : i32 to index
          %swap3A_878 = arith.index_cast %mul3A_475 : i32 to index
          %swap3A_879 = tpu.vector_load %arg7[%swap3A_876, %swap3A_877, %swap3A_878] {strides = array<i32>} : memref<19x2x512xf32, #tpu.memory_space<vmem>>, vector<16xf32>,
          tpu.vector_store %arg7[%swap3A_876, %swap3A_877, %swap3A_878], %mul3A_874 {strides = array<i32>} : memref<19x2x512xf32, #tpu.memory_space<vmem>>, vector<16xf32>,
        }
        %scan3A_472 = arith.constant 32 : i32
      }
      %scan3A_278 = arith.constant 2 : i32
      %mul3A_279 = arith.constant 32 : i32
      %mul3A_280 = arith.muli %add3A, %mul3A_279 : i32
      %add3A_281 = arith.addi %mul3A_280, %add3A_217 : i32
      %jit3A_282 = arith.constant 256 : i32
      %div3A_283 = arith.divsi %add3A_281, %jit3A_282 : i32
      %sign3A_284 = arith.constant 0 : i32
      %sign3A_285 = arith.cmpi sgt, %add3A_281, %sign3A_284 : i32
      %sign3A_286 = arith.extui %sign3A_285 : i1 to i32
      %sign3A_287 = arith.constant 0 : i32
      %sign3A_288 = arith.cmpi slt, %add3A_281, %sign3A_287 : i32
      %sign3A_289 = arith.extui %sign3A_288 : i1 to i32
      %sign3A_290 = arith.subi %sign3A_286, %sign3A_289 : i32
      %sign3A_291 = arith.constant 0 : i32
      %sign3A_292 = arith.cmpi sgt, %jit3A_282, %sign3A_291 : i32
      %sign3A_293 = arith.extui %sign3A_292 : i1 to i32
      %sign3A_294 = arith.constant 0 : i32
      %sign3A_295 = arith.cmpi slt, %jit3A_282, %sign3A_294 : i32
      %sign3A_296 = arith.extui %sign3A_295 : i1 to i32
      %sign3A_297 = arith.subi %sign3A_293, %sign3A_296 : i32
      %ne3A_298 = arith.cmpi ne, %sign3A_290, %sign3A_297 : i32
      %rem3A_299 = arith.remsi %add3A_281, %jit3A_282 : i32
      %ne3A_300 = arith.constant 0 : i32
      %ne3A_301 = arith.cmpi ne, %rem3A_299, %ne3A_300 : i32
      %and3A_302 = arith.andi %ne3A_298, %ne3A_301 : i1
      %sub3A_303 = arith.constant 1 : i32
      %sub3A_304 = arith.subi %div3A_283, %sub3A_303 : i32
      %select_n3A_305 = arith.select %and3A_302, %sub3A_304, %div3A_283 : i32
      %jit3A_306 = arith.constant 256 : i32
      %eq3A_307 = arith.constant 0 : i32
      %eq3A_308 = arith.cmpi eq, %jit3A_306, %eq3A_307 : i32
      %jit3A_309 = arith.constant 1 : i32
      %select_n3A_310 = arith.select %eq3A_308, %jit3A_309, %jit3A_306 : i32
      %rem3A_311 = arith.remsi %add3A_281, %select_n3A_310 : i32
      %ne3A_312 = arith.constant 0 : i32
      %ne3A_313 = arith.cmpi ne, %rem3A_311, %ne3A_312 : i32
      %lt3A_314 = arith.constant 0 : i32
      %lt3A_315 = arith.cmpi slt, %rem3A_311, %lt3A_314 : i32
      %lt3A_316 = arith.constant 0 : i32
      %lt3A_317 = arith.cmpi slt, %select_n3A_310, %lt3A_316 : i32
      %ne3A_318 = arith.xori %lt3A_315, %lt3A_317 : i1
      %and3A_319 = arith.andi %ne3A_318, %ne3A_313 : i1
      %add3A_320 = arith.addi %rem3A_311, %select_n3A_310 : i32
      %select_n3A_321 = arith.select %and3A_319, %add3A_320, %rem3A_311 : i32
      %mul3A_322 = arith.constant 2 : i32
      %mul3A_323 = arith.muli %select_n3A_321, %mul3A_322 : i32
      %dma_start3A_324 = arith.constant 0 : i32
      %dma_start3A_325 = arith.constant 0 : i32
      %dma_start3A_326 = tpu.memref_slice %arg4[%select_n3A_305, %dma_start3A_324, %mul3A_323, %dma_start3A_325] : memref<4x19x512x512xf32, #tpu.memory_space<hbm>> -> memref<1x19x2x512xf32, #tpu.memory_space<hbm>>
      %dma_start3A_327 = tpu.memref_squeeze %dma_start3A_326 : memref<1x19x2x512xf32, #tpu.memory_space<hbm>> -> memref<19x2x512xf32, #tpu.memory_space<hbm>>
      %dma_start3A_328 = arith.constant 0 : i32
      %dma_start3A_329 = arith.constant 0 : i32
      %dma_start3A_330 = tpu.memref_slice %arg4[%select_n3A_305, %dma_start3A_328, %mul3A_323, %dma_start3A_329] : memref<4x19x512x512xf32, #tpu.memory_space<hbm>> -> memref<1x19x2x512xf32, #tpu.memory_space<hbm>>
      %dma_start3A_331 = tpu.memref_squeeze %dma_start3A_330 : memref<1x19x2x512xf32, #tpu.memory_space<hbm>> -> memref<19x2x512xf32, #tpu.memory_space<hbm>>
      tpu.enqueue_dma source(%arg7 : memref<19x2x512xf32, #tpu.memory_space<vmem>>) target(%dma_start3A_331 : memref<19x2x512xf32, #tpu.memory_space<hbm>>) target_semaphore(%arg12 : memref<!tpu.dma_semaphore, #tpu.memory_space<semaphore_mem>>)
      %add3A_332 = arith.constant 2 : i32
      %add3A_333 = arith.addi %add3A_217, %add3A_332 : i32
      %lt3A_334 = arith.constant 32 : i32
      %lt3A_335 = arith.cmpi slt, %add3A_333, %lt3A_334 : i32
      %convert_element_type3A_336 = arith.extui %lt3A_335 : i1 to i32
      %cond3A_337 = arith.constant 0 : i32
      %cond3A_338 = arith.cmpi ne, %convert_element_type3A_336, %cond3A_337 : i32
      scf.if %cond3A_338 {
        %add3A_467 = arith.constant 2 : i32
        %add3A_468 = arith.addi %add3A_217, %add3A_467 : i32
        %mul3A_469 = arith.constant 32 : i32
        %mul3A_470 = arith.muli %add3A, %mul3A_469 : i32
        %add3A_471 = arith.addi %mul3A_470, %add3A_468 : i32
        %jit3A_472 = arith.constant 256 : i32
        %div3A_473 = arith.divsi %add3A_471, %jit3A_472 : i32
        %sign3A_474 = arith.constant 0 : i32
        %sign3A_475 = arith.cmpi sgt, %add3A_471, %sign3A_474 : i32
        %sign3A_476 = arith.extui %sign3A_475 : i1 to i32
        %sign3A_477 = arith.constant 0 : i32
        %sign3A_478 = arith.cmpi slt, %add3A_471, %sign3A_477 : i32
        %sign3A_479 = arith.extui %sign3A_478 : i1 to i32
        %sign3A_480 = arith.subi %sign3A_476, %sign3A_479 : i32
        %sign3A_481 = arith.constant 0 : i32
        %sign3A_482 = arith.cmpi sgt, %jit3A_472, %sign3A_481 : i32
        %sign3A_483 = arith.extui %sign3A_482 : i1 to i32
        %sign3A_484 = arith.constant 0 : i32
        %sign3A_485 = arith.cmpi slt, %jit3A_472, %sign3A_484 : i32
        %sign3A_486 = arith.extui %sign3A_485 : i1 to i32
        %sign3A_487 = arith.subi %sign3A_483, %sign3A_486 : i32
        %ne3A_488 = arith.cmpi ne, %sign3A_480, %sign3A_487 : i32
        %rem3A_489 = arith.remsi %add3A_471, %jit3A_472 : i32
        %ne3A_490 = arith.constant 0 : i32
        %ne3A_491 = arith.cmpi ne, %rem3A_489, %ne3A_490 : i32
        %and3A_492 = arith.andi %ne3A_488, %ne3A_491 : i1
        %sub3A_493 = arith.constant 1 : i32
        %sub3A_494 = arith.subi %div3A_473, %sub3A_493 : i32
        %select_n3A_495 = arith.select %and3A_492, %sub3A_494, %div3A_473 : i32
        %jit3A_496 = arith.constant 256 : i32
        %eq3A_497 = arith.constant 0 : i32
        %eq3A_498 = arith.cmpi eq, %jit3A_496, %eq3A_497 : i32
        %jit3A_499 = arith.constant 1 : i32
        %select_n3A_500 = arith.select %eq3A_498, %jit3A_499, %jit3A_496 : i32
        %rem3A_501 = arith.remsi %add3A_471, %select_n3A_500 : i32
        %ne3A_502 = arith.constant 0 : i32
        %ne3A_503 = arith.cmpi ne, %rem3A_501, %ne3A_502 : i32
        %lt3A_504 = arith.constant 0 : i32
        %lt3A_505 = arith.cmpi slt, %rem3A_501, %lt3A_504 : i32
        %lt3A_506 = arith.constant 0 : i32
        %lt3A_507 = arith.cmpi slt, %select_n3A_500, %lt3A_506 : i32
        %ne3A_508 = arith.xori %lt3A_505, %lt3A_507 : i1
        %and3A_509 = arith.andi %ne3A_508, %ne3A_503 : i1
        %add3A_510 = arith.addi %rem3A_501, %select_n3A_500 : i32
        %select_n3A_511 = arith.select %and3A_509, %add3A_510, %rem3A_501 : i32
        %mul3A_512 = arith.constant 2 : i32
        %mul3A_513 = arith.muli %select_n3A_511, %mul3A_512 : i32
        %dma_start3A_514 = arith.constant 0 : i32
        %dma_start3A_515 = arith.constant 0 : i32
        %dma_start3A_516 = tpu.memref_slice %arg2[%select_n3A_495, %dma_start3A_514, %mul3A_513, %dma_start3A_515] : memref<4x19x512x512xf32, #tpu.memory_space<hbm>> -> memref<1x19x2x512xf32, #tpu.memory_space<hbm>>
        %dma_start3A_517 = tpu.memref_squeeze %dma_start3A_516 : memref<1x19x2x512xf32, #tpu.memory_space<hbm>> -> memref<19x2x512xf32, #tpu.memory_space<hbm>>
        %dma_start3A_518 = arith.constant 0 : i32
        %dma_start3A_519 = arith.constant 0 : i32
        %dma_start3A_520 = tpu.memref_slice %arg2[%select_n3A_495, %dma_start3A_518, %mul3A_513, %dma_start3A_519] : memref<4x19x512x512xf32, #tpu.memory_space<hbm>> -> memref<1x19x2x512xf32, #tpu.memory_space<hbm>>
        %dma_start3A_521 = tpu.memref_squeeze %dma_start3A_520 : memref<1x19x2x512xf32, #tpu.memory_space<hbm>> -> memref<19x2x512xf32, #tpu.memory_space<hbm>>
        tpu.enqueue_dma source(%dma_start3A_521 : memref<19x2x512xf32, #tpu.memory_space<hbm>>) target(%arg5 : memref<19x2x512xf32, #tpu.memory_space<vmem>>) target_semaphore(%arg10 : memref<!tpu.dma_semaphore, #tpu.memory_space<semaphore_mem>>)
      } else {
      }
      %mul3A_339 = arith.constant 2 : i32
      %mul3A_340 = arith.muli %scan3A_213, %mul3A_339 : i32
      %add3A_341 = arith.constant 1 : i32
      %add3A_342 = arith.addi %mul3A_340, %add3A_341 : i32
      %mul3A_343 = arith.constant 32 : i32
      %mul3A_344 = arith.muli %add3A, %mul3A_343 : i32
      %add3A_345 = arith.addi %mul3A_344, %add3A_342 : i32
      %jit3A_346 = arith.constant 256 : i32
      %div3A_347 = arith.divsi %add3A_345, %jit3A_346 : i32
      %sign3A_348 = arith.constant 0 : i32
      %sign3A_349 = arith.cmpi sgt, %add3A_345, %sign3A_348 : i32
      %sign3A_350 = arith.extui %sign3A_349 : i1 to i32
      %sign3A_351 = arith.constant 0 : i32
      %sign3A_352 = arith.cmpi slt, %add3A_345, %sign3A_351 : i32
      %sign3A_353 = arith.extui %sign3A_352 : i1 to i32
      %sign3A_354 = arith.subi %sign3A_350, %sign3A_353 : i32
      %sign3A_355 = arith.constant 0 : i32
      %sign3A_356 = arith.cmpi sgt, %jit3A_346, %sign3A_355 : i32
      %sign3A_357 = arith.extui %sign3A_356 : i1 to i32
      %sign3A_358 = arith.constant 0 : i32
      %sign3A_359 = arith.cmpi slt, %jit3A_346, %sign3A_358 : i32
      %sign3A_360 = arith.extui %sign3A_359 : i1 to i32
      %sign3A_361 = arith.subi %sign3A_357, %sign3A_360 : i32
      %ne3A_362 = arith.cmpi ne, %sign3A_354, %sign3A_361 : i32
      %rem3A_363 = arith.remsi %add3A_345, %jit3A_346 : i32
      %ne3A_364 = arith.constant 0 : i32
      %ne3A_365 = arith.cmpi ne, %rem3A_363, %ne3A_364 : i32
      %and3A_366 = arith.andi %ne3A_362, %ne3A_365 : i1
      %sub3A_367 = arith.constant 1 : i32
      %sub3A_368 = arith.subi %div3A_347, %sub3A_367 : i32
      %select_n3A_369 = arith.select %and3A_366, %sub3A_368, %div3A_347 : i32
      %jit3A_370 = arith.constant 256 : i32
      %eq3A_371 = arith.constant 0 : i32
      %eq3A_372 = arith.cmpi eq, %jit3A_370, %eq3A_371 : i32
      %jit3A_373 = arith.constant 1 : i32
      %select_n3A_374 = arith.select %eq3A_372, %jit3A_373, %jit3A_370 : i32
      %rem3A_375 = arith.remsi %add3A_345, %select_n3A_374 : i32
      %ne3A_376 = arith.constant 0 : i32
      %ne3A_377 = arith.cmpi ne, %rem3A_375, %ne3A_376 : i32
      %lt3A_378 = arith.constant 0 : i32
      %lt3A_379 = arith.cmpi slt, %rem3A_375, %lt3A_378 : i32
      %lt3A_380 = arith.constant 0 : i32
      %lt3A_381 = arith.cmpi slt, %select_n3A_374, %lt3A_380 : i32
      %ne3A_382 = arith.xori %lt3A_379, %lt3A_381 : i1
      %and3A_383 = arith.andi %ne3A_382, %ne3A_377 : i1
      %add3A_384 = arith.addi %rem3A_375, %select_n3A_374 : i32
      %select_n3A_385 = arith.select %and3A_383, %add3A_384, %rem3A_375 : i32
      %mul3A_386 = arith.constant 2 : i32
      %mul3A_387 = arith.muli %select_n3A_385, %mul3A_386 : i32
      %dma_wait3A_388 = arith.constant 0 : i32
      %dma_wait3A_389 = arith.constant 0 : i32
      %dma_wait3A_390 = tpu.memref_slice %arg2[%select_n3A_369, %dma_wait3A_388, %mul3A_387, %dma_wait3A_389] : memref<4x19x512x512xf32, #tpu.memory_space<hbm>> -> memref<1x19x2x512xf32, #tpu.memory_space<hbm>>
      %dma_wait3A_391 = tpu.memref_squeeze %dma_wait3A_390 : memref<1x19x2x512xf32, #tpu.memory_space<hbm>> -> memref<19x2x512xf32, #tpu.memory_space<hbm>>
      %dma_wait3A_392 = arith.constant 0 : i32
      %dma_wait3A_393 = arith.constant 0 : i32
      %dma_wait3A_394 = tpu.memref_slice %arg2[%select_n3A_369, %dma_wait3A_392, %mul3A_387, %dma_wait3A_393] : memref<4x19x512x512xf32, #tpu.memory_space<hbm>> -> memref<1x19x2x512xf32, #tpu.memory_space<hbm>>
      %dma_wait3A_395 = tpu.memref_squeeze %dma_wait3A_394 : memref<1x19x2x512xf32, #tpu.memory_space<hbm>> -> memref<19x2x512xf32, #tpu.memory_space<hbm>>
      tpu.wait_dma2 semaphore(%arg11 : memref<!tpu.dma_semaphore, #tpu.memory_space<semaphore_mem>>) src(%dma_wait3A_395 : memref<19x2x512xf32, #tpu.memory_space<hbm>>) dst(%arg6 : memref<19x2x512xf32, #tpu.memory_space<vmem>>)
      %ge3A_396 = arith.constant 2 : i32
      %ge3A_397 = arith.cmpi sge, %add3A_342, %ge3A_396 : i32
      %convert_element_type3A_398 = arith.extui %ge3A_397 : i1 to i32
      %cond3A_399 = arith.constant 0 : i32
      %cond3A_400 = arith.cmpi ne, %convert_element_type3A_398, %cond3A_399 : i32
      scf.if %cond3A_400 {
        %sub3A_467 = arith.constant 2 : i32
        %sub3A_468 = arith.subi %add3A_342, %sub3A_467 : i32
        %mul3A_469 = arith.constant 32 : i32
        %mul3A_470 = arith.muli %add3A, %mul3A_469 : i32
        %add3A_471 = arith.addi %mul3A_470, %sub3A_468 : i32
        %jit3A_472 = arith.constant 256 : i32
        %div3A_473 = arith.divsi %add3A_471, %jit3A_472 : i32
        %sign3A_474 = arith.constant 0 : i32
        %sign3A_475 = arith.cmpi sgt, %add3A_471, %sign3A_474 : i32
        %sign3A_476 = arith.extui %sign3A_475 : i1 to i32
        %sign3A_477 = arith.constant 0 : i32
        %sign3A_478 = arith.cmpi slt, %add3A_471, %sign3A_477 : i32
        %sign3A_479 = arith.extui %sign3A_478 : i1 to i32
        %sign3A_480 = arith.subi %sign3A_476, %sign3A_479 : i32
        %sign3A_481 = arith.constant 0 : i32
        %sign3A_482 = arith.cmpi sgt, %jit3A_472, %sign3A_481 : i32
        %sign3A_483 = arith.extui %sign3A_482 : i1 to i32
        %sign3A_484 = arith.constant 0 : i32
        %sign3A_485 = arith.cmpi slt, %jit3A_472, %sign3A_484 : i32
        %sign3A_486 = arith.extui %sign3A_485 : i1 to i32
        %sign3A_487 = arith.subi %sign3A_483, %sign3A_486 : i32
        %ne3A_488 = arith.cmpi ne, %sign3A_480, %sign3A_487 : i32
        %rem3A_489 = arith.remsi %add3A_471, %jit3A_472 : i32
        %ne3A_490 = arith.constant 0 : i32
        %ne3A_491 = arith.cmpi ne, %rem3A_489, %ne3A_490 : i32
        %and3A_492 = arith.andi %ne3A_488, %ne3A_491 : i1
        %sub3A_493 = arith.constant 1 : i32
        %sub3A_494 = arith.subi %div3A_473, %sub3A_493 : i32
        %select_n3A_495 = arith.select %and3A_492, %sub3A_494, %div3A_473 : i32
        %jit3A_496 = arith.constant 256 : i32
        %eq3A_497 = arith.constant 0 : i32
        %eq3A_498 = arith.cmpi eq, %jit3A_496, %eq3A_497 : i32
        %jit3A_499 = arith.constant 1 : i32
        %select_n3A_500 = arith.select %eq3A_498, %jit3A_499, %jit3A_496 : i32
        %rem3A_501 = arith.remsi %add3A_471, %select_n3A_500 : i32
        %ne3A_502 = arith.constant 0 : i32
        %ne3A_503 = arith.cmpi ne, %rem3A_501, %ne3A_502 : i32
        %lt3A_504 = arith.constant 0 : i32
        %lt3A_505 = arith.cmpi slt, %rem3A_501, %lt3A_504 : i32
        %lt3A_506 = arith.constant 0 : i32
        %lt3A_507 = arith.cmpi slt, %select_n3A_500, %lt3A_506 : i32
        %ne3A_508 = arith.xori %lt3A_505, %lt3A_507 : i1
        %and3A_509 = arith.andi %ne3A_508, %ne3A_503 : i1
        %add3A_510 = arith.addi %rem3A_501, %select_n3A_500 : i32
        %select_n3A_511 = arith.select %and3A_509, %add3A_510, %rem3A_501 : i32
        %mul3A_512 = arith.constant 2 : i32
        %mul3A_513 = arith.muli %select_n3A_511, %mul3A_512 : i32
        %dma_wait3A_514 = arith.constant 0 : i32
        %dma_wait3A_515 = arith.constant 0 : i32
        %dma_wait3A_516 = tpu.memref_slice %arg4[%select_n3A_495, %dma_wait3A_514, %mul3A_513, %dma_wait3A_515] : memref<4x19x512x512xf32, #tpu.memory_space<hbm>> -> memref<1x19x2x512xf32, #tpu.memory_space<hbm>>
        %dma_wait3A_517 = tpu.memref_squeeze %dma_wait3A_516 : memref<1x19x2x512xf32, #tpu.memory_space<hbm>> -> memref<19x2x512xf32, #tpu.memory_space<hbm>>
        %dma_wait3A_518 = arith.constant 0 : i32
        %dma_wait3A_519 = arith.constant 0 : i32
        %dma_wait3A_520 = tpu.memref_slice %arg4[%select_n3A_495, %dma_wait3A_518, %mul3A_513, %dma_wait3A_519] : memref<4x19x512x512xf32, #tpu.memory_space<hbm>> -> memref<1x19x2x512xf32, #tpu.memory_space<hbm>>
        %dma_wait3A_521 = tpu.memref_squeeze %dma_wait3A_520 : memref<1x19x2x512xf32, #tpu.memory_space<hbm>> -> memref<19x2x512xf32, #tpu.memory_space<hbm>>
        tpu.wait_dma2 semaphore(%arg13 : memref<!tpu.dma_semaphore, #tpu.memory_space<semaphore_mem>>) src(%arg8 : memref<19x2x512xf32, #tpu.memory_space<vmem>>) dst(%dma_wait3A_521 : memref<19x2x512xf32, #tpu.memory_space<hbm>>)
      } else {
      }
      %scan3A_401 = arith.constant 0 : i32
      %scan3A_402 = arith.constant 0 : i32
      %scan3A_403 = arith.constant 2 : i32
      %scan3A_404 = arith.addi %scan3A_402, %scan3A_403 : i32
      %scan3A_405 = arith.constant 1 : i32
      scf.for %scan3A_467 = %scan3A_402 to %scan3A_404 step %scan3A_405  : i32 {
        %scan3A_468 = arith.constant 0 : i32
        %scan3A_469 = arith.constant 32 : i32
        %scan3A_470 = arith.addi %scan3A_468, %scan3A_469 : i32
        %scan3A_471 = arith.constant 1 : i32
        scf.for %scan3A_473 = %scan3A_468 to %scan3A_470 step %scan3A_471  : i32 {
          %mul3A_474 = arith.constant 16 : i32
          %mul3A_475 = arith.muli %scan3A_473, %mul3A_474 : i32
          %get3A = arith.constant 0 : i32
          %get3A_476 = arith.index_cast %get3A : i32 to index
          %get3A_477 = arith.index_cast %scan3A_467 : i32 to index
          %get3A_478 = arith.index_cast %mul3A_475 : i32 to index
          %get3A_479 = tpu.vector_load %arg6[%get3A_476, %get3A_477, %get3A_478] {strides = array<i32>} : memref<19x2x512xf32, #tpu.memory_space<vmem>>, vector<16xf32>,
          %exp3A = math.exp %get3A_479 : vector<16xf32>
          %get3A_480 = arith.constant 1 : i32
          %get3A_481 = arith.index_cast %get3A_480 : i32 to index
          %get3A_482 = arith.index_cast %scan3A_467 : i32 to index
          %get3A_483 = arith.index_cast %mul3A_475 : i32 to index
          %get3A_484 = tpu.vector_load %arg6[%get3A_481, %get3A_482, %get3A_483] {strides = array<i32>} : memref<19x2x512xf32, #tpu.memory_space<vmem>>, vector<16xf32>,
          %exp3A_485 = math.exp %get3A_484 : vector<16xf32>
          %get3A_486 = arith.constant 2 : i32
          %get3A_487 = arith.index_cast %get3A_486 : i32 to index
          %get3A_488 = arith.index_cast %scan3A_467 : i32 to index
          %get3A_489 = arith.index_cast %mul3A_475 : i32 to index
          %get3A_490 = tpu.vector_load %arg6[%get3A_487, %get3A_488, %get3A_489] {strides = array<i32>} : memref<19x2x512xf32, #tpu.memory_space<vmem>>, vector<16xf32>,
          %exp3A_491 = math.exp %get3A_490 : vector<16xf32>
          %get3A_492 = arith.constant 3 : i32
          %get3A_493 = arith.index_cast %get3A_492 : i32 to index
          %get3A_494 = arith.index_cast %scan3A_467 : i32 to index
          %get3A_495 = arith.index_cast %mul3A_475 : i32 to index
          %get3A_496 = tpu.vector_load %arg6[%get3A_493, %get3A_494, %get3A_495] {strides = array<i32>} : memref<19x2x512xf32, #tpu.memory_space<vmem>>, vector<16xf32>,
          %exp3A_497 = math.exp %get3A_496 : vector<16xf32>
          %get3A_498 = arith.constant 4 : i32
          %get3A_499 = arith.index_cast %get3A_498 : i32 to index
          %get3A_500 = arith.index_cast %scan3A_467 : i32 to index
          %get3A_501 = arith.index_cast %mul3A_475 : i32 to index
          %get3A_502 = tpu.vector_load %arg6[%get3A_499, %get3A_500, %get3A_501] {strides = array<i32>} : memref<19x2x512xf32, #tpu.memory_space<vmem>>, vector<16xf32>,
          %exp3A_503 = math.exp %get3A_502 : vector<16xf32>
          %get3A_504 = arith.constant 5 : i32
          %get3A_505 = arith.index_cast %get3A_504 : i32 to index
          %get3A_506 = arith.index_cast %scan3A_467 : i32 to index
          %get3A_507 = arith.index_cast %mul3A_475 : i32 to index
          %get3A_508 = tpu.vector_load %arg6[%get3A_505, %get3A_506, %get3A_507] {strides = array<i32>} : memref<19x2x512xf32, #tpu.memory_space<vmem>>, vector<16xf32>,
          %exp3A_509 = math.exp %get3A_508 : vector<16xf32>
          %get3A_510 = arith.constant 6 : i32
          %get3A_511 = arith.index_cast %get3A_510 : i32 to index
          %get3A_512 = arith.index_cast %scan3A_467 : i32 to index
          %get3A_513 = arith.index_cast %mul3A_475 : i32 to index
          %get3A_514 = tpu.vector_load %arg6[%get3A_511, %get3A_512, %get3A_513] {strides = array<i32>} : memref<19x2x512xf32, #tpu.memory_space<vmem>>, vector<16xf32>,
          %exp3A_515 = math.exp %get3A_514 : vector<16xf32>
          %get3A_516 = arith.constant 7 : i32
          %get3A_517 = arith.index_cast %get3A_516 : i32 to index
          %get3A_518 = arith.index_cast %scan3A_467 : i32 to index
          %get3A_519 = arith.index_cast %mul3A_475 : i32 to index
          %get3A_520 = tpu.vector_load %arg6[%get3A_517, %get3A_518, %get3A_519] {strides = array<i32>} : memref<19x2x512xf32, #tpu.memory_space<vmem>>, vector<16xf32>,
          %exp3A_521 = math.exp %get3A_520 : vector<16xf32>
          %get3A_522 = arith.constant 8 : i32
          %get3A_523 = arith.index_cast %get3A_522 : i32 to index
          %get3A_524 = arith.index_cast %scan3A_467 : i32 to index
          %get3A_525 = arith.index_cast %mul3A_475 : i32 to index
          %get3A_526 = tpu.vector_load %arg6[%get3A_523, %get3A_524, %get3A_525] {strides = array<i32>} : memref<19x2x512xf32, #tpu.memory_space<vmem>>, vector<16xf32>,
          %exp3A_527 = math.exp %get3A_526 : vector<16xf32>
          %get3A_528 = arith.constant 9 : i32
          %get3A_529 = arith.index_cast %get3A_528 : i32 to index
          %get3A_530 = arith.index_cast %scan3A_467 : i32 to index
          %get3A_531 = arith.index_cast %mul3A_475 : i32 to index
          %get3A_532 = tpu.vector_load %arg6[%get3A_529, %get3A_530, %get3A_531] {strides = array<i32>} : memref<19x2x512xf32, #tpu.memory_space<vmem>>, vector<16xf32>,
          %exp3A_533 = math.exp %get3A_532 : vector<16xf32>
          %get3A_534 = arith.constant 10 : i32
          %get3A_535 = arith.index_cast %get3A_534 : i32 to index
          %get3A_536 = arith.index_cast %scan3A_467 : i32 to index
          %get3A_537 = arith.index_cast %mul3A_475 : i32 to index
          %get3A_538 = tpu.vector_load %arg6[%get3A_535, %get3A_536, %get3A_537] {strides = array<i32>} : memref<19x2x512xf32, #tpu.memory_space<vmem>>, vector<16xf32>,
          %exp3A_539 = math.exp %get3A_538 : vector<16xf32>
          %get3A_540 = arith.constant 11 : i32
          %get3A_541 = arith.index_cast %get3A_540 : i32 to index
          %get3A_542 = arith.index_cast %scan3A_467 : i32 to index
          %get3A_543 = arith.index_cast %mul3A_475 : i32 to index
          %get3A_544 = tpu.vector_load %arg6[%get3A_541, %get3A_542, %get3A_543] {strides = array<i32>} : memref<19x2x512xf32, #tpu.memory_space<vmem>>, vector<16xf32>,
          %exp3A_545 = math.exp %get3A_544 : vector<16xf32>
          %get3A_546 = arith.constant 12 : i32
          %get3A_547 = arith.index_cast %get3A_546 : i32 to index
          %get3A_548 = arith.index_cast %scan3A_467 : i32 to index
          %get3A_549 = arith.index_cast %mul3A_475 : i32 to index
          %get3A_550 = tpu.vector_load %arg6[%get3A_547, %get3A_548, %get3A_549] {strides = array<i32>} : memref<19x2x512xf32, #tpu.memory_space<vmem>>, vector<16xf32>,
          %exp3A_551 = math.exp %get3A_550 : vector<16xf32>
          %get3A_552 = arith.constant 13 : i32
          %get3A_553 = arith.index_cast %get3A_552 : i32 to index
          %get3A_554 = arith.index_cast %scan3A_467 : i32 to index
          %get3A_555 = arith.index_cast %mul3A_475 : i32 to index
          %get3A_556 = tpu.vector_load %arg6[%get3A_553, %get3A_554, %get3A_555] {strides = array<i32>} : memref<19x2x512xf32, #tpu.memory_space<vmem>>, vector<16xf32>,
          %exp3A_557 = math.exp %get3A_556 : vector<16xf32>
          %get3A_558 = arith.constant 14 : i32
          %get3A_559 = arith.index_cast %get3A_558 : i32 to index
          %get3A_560 = arith.index_cast %scan3A_467 : i32 to index
          %get3A_561 = arith.index_cast %mul3A_475 : i32 to index
          %get3A_562 = tpu.vector_load %arg6[%get3A_559, %get3A_560, %get3A_561] {strides = array<i32>} : memref<19x2x512xf32, #tpu.memory_space<vmem>>, vector<16xf32>,
          %exp3A_563 = math.exp %get3A_562 : vector<16xf32>
          %get3A_564 = arith.constant 15 : i32
          %get3A_565 = arith.index_cast %get3A_564 : i32 to index
          %get3A_566 = arith.index_cast %scan3A_467 : i32 to index
          %get3A_567 = arith.index_cast %mul3A_475 : i32 to index
          %get3A_568 = tpu.vector_load %arg6[%get3A_565, %get3A_566, %get3A_567] {strides = array<i32>} : memref<19x2x512xf32, #tpu.memory_space<vmem>>, vector<16xf32>,
          %exp3A_569 = math.exp %get3A_568 : vector<16xf32>
          %get3A_570 = arith.constant 16 : i32
          %get3A_571 = arith.index_cast %get3A_570 : i32 to index
          %get3A_572 = arith.index_cast %scan3A_467 : i32 to index
          %get3A_573 = arith.index_cast %mul3A_475 : i32 to index
          %get3A_574 = tpu.vector_load %arg6[%get3A_571, %get3A_572, %get3A_573] {strides = array<i32>} : memref<19x2x512xf32, #tpu.memory_space<vmem>>, vector<16xf32>,
          %exp3A_575 = math.exp %get3A_574 : vector<16xf32>
          %get3A_576 = arith.constant 17 : i32
          %get3A_577 = arith.index_cast %get3A_576 : i32 to index
          %get3A_578 = arith.index_cast %scan3A_467 : i32 to index
          %get3A_579 = arith.index_cast %mul3A_475 : i32 to index
          %get3A_580 = tpu.vector_load %arg6[%get3A_577, %get3A_578, %get3A_579] {strides = array<i32>} : memref<19x2x512xf32, #tpu.memory_space<vmem>>, vector<16xf32>,
          %exp3A_581 = math.exp %get3A_580 : vector<16xf32>
          %get3A_582 = arith.constant 18 : i32
          %get3A_583 = arith.index_cast %get3A_582 : i32 to index
          %get3A_584 = arith.index_cast %scan3A_467 : i32 to index
          %get3A_585 = arith.index_cast %mul3A_475 : i32 to index
          %get3A_586 = tpu.vector_load %arg6[%get3A_583, %get3A_584, %get3A_585] {strides = array<i32>} : memref<19x2x512xf32, #tpu.memory_space<vmem>>, vector<16xf32>,
          %exp3A_587 = math.exp %get3A_586 : vector<16xf32>
          %add3A_588 = arith.addf %exp3A, %exp3A_485 : vector<16xf32>
          %add3A_589 = arith.addf %exp3A_491, %exp3A_497 : vector<16xf32>
          %add3A_590 = arith.addf %exp3A_503, %exp3A_509 : vector<16xf32>
          %add3A_591 = arith.addf %exp3A_515, %exp3A_521 : vector<16xf32>
          %add3A_592 = arith.addf %exp3A_527, %exp3A_533 : vector<16xf32>
          %add3A_593 = arith.addf %exp3A_539, %exp3A_545 : vector<16xf32>
          %add3A_594 = arith.addf %exp3A_551, %exp3A_557 : vector<16xf32>
          %add3A_595 = arith.addf %exp3A_563, %exp3A_569 : vector<16xf32>
          %add3A_596 = arith.addf %exp3A_575, %exp3A_581 : vector<16xf32>
          %add3A_597 = arith.addf %add3A_588, %add3A_589 : vector<16xf32>
          %add3A_598 = arith.addf %add3A_590, %add3A_591 : vector<16xf32>
          %add3A_599 = arith.addf %add3A_592, %add3A_593 : vector<16xf32>
          %add3A_600 = arith.addf %add3A_594, %add3A_595 : vector<16xf32>
          %add3A_601 = arith.addf %add3A_596, %exp3A_587 : vector<16xf32>
          %add3A_602 = arith.addf %add3A_597, %add3A_598 : vector<16xf32>
          %add3A_603 = arith.addf %add3A_599, %add3A_600 : vector<16xf32>
          %add3A_604 = arith.addf %add3A_602, %add3A_603 : vector<16xf32>
          %add3A_605 = arith.addf %add3A_604, %add3A_601 : vector<16xf32>
          %div3A_606 = arith.constant 1.500000e+01 : f32
          %div3A_607 = vector.broadcast %div3A_606 : f32 to vector<16xf32>
          %div3A_608 = arith.divf %div3A_607, %add3A_605 : vector<16xf32>
          %mul3A_609 = arith.mulf %exp3A, %div3A_608 : vector<16xf32>
          %convert_element_type3A_610 = arith.fptosi %mul3A_609 : vector<16xf32> to vector<16xi32>
          %add3A_611 = arith.constant 0 : i32
          %add3A_612 = vector.broadcast %add3A_611 : i32 to vector<16xi32>
          %add3A_613 = arith.addi %convert_element_type3A_610, %add3A_612 : vector<16xi32>
          %add3A_614 = arith.addi %add3A_613, %mul3A_3 : vector<16xi32>
          %gather3A = tpu.vector_load_idx %arg9[%add3A_614] : memref<4880xf32, #tpu.memory_space<vmem>>[vector<16xi32>], vector<16xf32>,
          %mul3A_615 = arith.mulf %exp3A_485, %div3A_608 : vector<16xf32>
          %convert_element_type3A_616 = arith.fptosi %mul3A_615 : vector<16xf32> to vector<16xi32>
          %add3A_617 = arith.constant 16 : i32
          %add3A_618 = vector.broadcast %add3A_617 : i32 to vector<16xi32>
          %add3A_619 = arith.addi %convert_element_type3A_616, %add3A_618 : vector<16xi32>
          %add3A_620 = arith.addi %add3A_619, %mul3A_3 : vector<16xi32>
          %gather3A_621 = tpu.vector_load_idx %arg9[%add3A_620] : memref<4880xf32, #tpu.memory_space<vmem>>[vector<16xi32>], vector<16xf32>,
          %mul3A_622 = arith.mulf %exp3A_491, %div3A_608 : vector<16xf32>
          %convert_element_type3A_623 = arith.fptosi %mul3A_622 : vector<16xf32> to vector<16xi32>
          %add3A_624 = arith.constant 32 : i32
          %add3A_625 = vector.broadcast %add3A_624 : i32 to vector<16xi32>
          %add3A_626 = arith.addi %convert_element_type3A_623, %add3A_625 : vector<16xi32>
          %add3A_627 = arith.addi %add3A_626, %mul3A_3 : vector<16xi32>
          %gather3A_628 = tpu.vector_load_idx %arg9[%add3A_627] : memref<4880xf32, #tpu.memory_space<vmem>>[vector<16xi32>], vector<16xf32>,
          %mul3A_629 = arith.mulf %exp3A_497, %div3A_608 : vector<16xf32>
          %convert_element_type3A_630 = arith.fptosi %mul3A_629 : vector<16xf32> to vector<16xi32>
          %add3A_631 = arith.constant 48 : i32
          %add3A_632 = vector.broadcast %add3A_631 : i32 to vector<16xi32>
          %add3A_633 = arith.addi %convert_element_type3A_630, %add3A_632 : vector<16xi32>
          %add3A_634 = arith.addi %add3A_633, %mul3A_3 : vector<16xi32>
          %gather3A_635 = tpu.vector_load_idx %arg9[%add3A_634] : memref<4880xf32, #tpu.memory_space<vmem>>[vector<16xi32>], vector<16xf32>,
          %mul3A_636 = arith.mulf %exp3A_503, %div3A_608 : vector<16xf32>
          %convert_element_type3A_637 = arith.fptosi %mul3A_636 : vector<16xf32> to vector<16xi32>
          %add3A_638 = arith.constant 64 : i32
          %add3A_639 = vector.broadcast %add3A_638 : i32 to vector<16xi32>
          %add3A_640 = arith.addi %convert_element_type3A_637, %add3A_639 : vector<16xi32>
          %add3A_641 = arith.addi %add3A_640, %mul3A_3 : vector<16xi32>
          %gather3A_642 = tpu.vector_load_idx %arg9[%add3A_641] : memref<4880xf32, #tpu.memory_space<vmem>>[vector<16xi32>], vector<16xf32>,
          %mul3A_643 = arith.mulf %exp3A_509, %div3A_608 : vector<16xf32>
          %convert_element_type3A_644 = arith.fptosi %mul3A_643 : vector<16xf32> to vector<16xi32>
          %add3A_645 = arith.constant 80 : i32
          %add3A_646 = vector.broadcast %add3A_645 : i32 to vector<16xi32>
          %add3A_647 = arith.addi %convert_element_type3A_644, %add3A_646 : vector<16xi32>
          %add3A_648 = arith.addi %add3A_647, %mul3A_3 : vector<16xi32>
          %gather3A_649 = tpu.vector_load_idx %arg9[%add3A_648] : memref<4880xf32, #tpu.memory_space<vmem>>[vector<16xi32>], vector<16xf32>,
          %mul3A_650 = arith.mulf %exp3A_515, %div3A_608 : vector<16xf32>
          %convert_element_type3A_651 = arith.fptosi %mul3A_650 : vector<16xf32> to vector<16xi32>
          %add3A_652 = arith.constant 96 : i32
          %add3A_653 = vector.broadcast %add3A_652 : i32 to vector<16xi32>
          %add3A_654 = arith.addi %convert_element_type3A_651, %add3A_653 : vector<16xi32>
          %add3A_655 = arith.addi %add3A_654, %mul3A_3 : vector<16xi32>
          %gather3A_656 = tpu.vector_load_idx %arg9[%add3A_655] : memref<4880xf32, #tpu.memory_space<vmem>>[vector<16xi32>], vector<16xf32>,
          %mul3A_657 = arith.mulf %exp3A_521, %div3A_608 : vector<16xf32>
          %convert_element_type3A_658 = arith.fptosi %mul3A_657 : vector<16xf32> to vector<16xi32>
          %add3A_659 = arith.constant 112 : i32
          %add3A_660 = vector.broadcast %add3A_659 : i32 to vector<16xi32>
          %add3A_661 = arith.addi %convert_element_type3A_658, %add3A_660 : vector<16xi32>
          %add3A_662 = arith.addi %add3A_661, %mul3A_3 : vector<16xi32>
          %gather3A_663 = tpu.vector_load_idx %arg9[%add3A_662] : memref<4880xf32, #tpu.memory_space<vmem>>[vector<16xi32>], vector<16xf32>,
          %mul3A_664 = arith.mulf %exp3A_527, %div3A_608 : vector<16xf32>
          %convert_element_type3A_665 = arith.fptosi %mul3A_664 : vector<16xf32> to vector<16xi32>
          %add3A_666 = arith.constant 128 : i32
          %add3A_667 = vector.broadcast %add3A_666 : i32 to vector<16xi32>
          %add3A_668 = arith.addi %convert_element_type3A_665, %add3A_667 : vector<16xi32>
          %add3A_669 = arith.addi %add3A_668, %mul3A_3 : vector<16xi32>
          %gather3A_670 = tpu.vector_load_idx %arg9[%add3A_669] : memref<4880xf32, #tpu.memory_space<vmem>>[vector<16xi32>], vector<16xf32>,
          %mul3A_671 = arith.mulf %exp3A_533, %div3A_608 : vector<16xf32>
          %convert_element_type3A_672 = arith.fptosi %mul3A_671 : vector<16xf32> to vector<16xi32>
          %add3A_673 = arith.constant 144 : i32
          %add3A_674 = vector.broadcast %add3A_673 : i32 to vector<16xi32>
          %add3A_675 = arith.addi %convert_element_type3A_672, %add3A_674 : vector<16xi32>
          %add3A_676 = arith.addi %add3A_675, %mul3A_3 : vector<16xi32>
          %gather3A_677 = tpu.vector_load_idx %arg9[%add3A_676] : memref<4880xf32, #tpu.memory_space<vmem>>[vector<16xi32>], vector<16xf32>,
          %mul3A_678 = arith.mulf %exp3A_539, %div3A_608 : vector<16xf32>
          %convert_element_type3A_679 = arith.fptosi %mul3A_678 : vector<16xf32> to vector<16xi32>
          %add3A_680 = arith.constant 160 : i32
          %add3A_681 = vector.broadcast %add3A_680 : i32 to vector<16xi32>
          %add3A_682 = arith.addi %convert_element_type3A_679, %add3A_681 : vector<16xi32>
          %add3A_683 = arith.addi %add3A_682, %mul3A_3 : vector<16xi32>
          %gather3A_684 = tpu.vector_load_idx %arg9[%add3A_683] : memref<4880xf32, #tpu.memory_space<vmem>>[vector<16xi32>], vector<16xf32>,
          %mul3A_685 = arith.mulf %exp3A_545, %div3A_608 : vector<16xf32>
          %convert_element_type3A_686 = arith.fptosi %mul3A_685 : vector<16xf32> to vector<16xi32>
          %add3A_687 = arith.constant 176 : i32
          %add3A_688 = vector.broadcast %add3A_687 : i32 to vector<16xi32>
          %add3A_689 = arith.addi %convert_element_type3A_686, %add3A_688 : vector<16xi32>
          %add3A_690 = arith.addi %add3A_689, %mul3A_3 : vector<16xi32>
          %gather3A_691 = tpu.vector_load_idx %arg9[%add3A_690] : memref<4880xf32, #tpu.memory_space<vmem>>[vector<16xi32>], vector<16xf32>,
          %mul3A_692 = arith.mulf %exp3A_551, %div3A_608 : vector<16xf32>
          %convert_element_type3A_693 = arith.fptosi %mul3A_692 : vector<16xf32> to vector<16xi32>
          %add3A_694 = arith.constant 192 : i32
          %add3A_695 = vector.broadcast %add3A_694 : i32 to vector<16xi32>
          %add3A_696 = arith.addi %convert_element_type3A_693, %add3A_695 : vector<16xi32>
          %add3A_697 = arith.addi %add3A_696, %mul3A_3 : vector<16xi32>
          %gather3A_698 = tpu.vector_load_idx %arg9[%add3A_697] : memref<4880xf32, #tpu.memory_space<vmem>>[vector<16xi32>], vector<16xf32>,
          %mul3A_699 = arith.mulf %exp3A_557, %div3A_608 : vector<16xf32>
          %convert_element_type3A_700 = arith.fptosi %mul3A_699 : vector<16xf32> to vector<16xi32>
          %add3A_701 = arith.constant 208 : i32
          %add3A_702 = vector.broadcast %add3A_701 : i32 to vector<16xi32>
          %add3A_703 = arith.addi %convert_element_type3A_700, %add3A_702 : vector<16xi32>
          %add3A_704 = arith.addi %add3A_703, %mul3A_3 : vector<16xi32>
          %gather3A_705 = tpu.vector_load_idx %arg9[%add3A_704] : memref<4880xf32, #tpu.memory_space<vmem>>[vector<16xi32>], vector<16xf32>,
          %mul3A_706 = arith.mulf %exp3A_563, %div3A_608 : vector<16xf32>
          %convert_element_type3A_707 = arith.fptosi %mul3A_706 : vector<16xf32> to vector<16xi32>
          %add3A_708 = arith.constant 224 : i32
          %add3A_709 = vector.broadcast %add3A_708 : i32 to vector<16xi32>
          %add3A_710 = arith.addi %convert_element_type3A_707, %add3A_709 : vector<16xi32>
          %add3A_711 = arith.addi %add3A_710, %mul3A_3 : vector<16xi32>
          %gather3A_712 = tpu.vector_load_idx %arg9[%add3A_711] : memref<4880xf32, #tpu.memory_space<vmem>>[vector<16xi32>], vector<16xf32>,
          %mul3A_713 = arith.mulf %exp3A_569, %div3A_608 : vector<16xf32>
          %convert_element_type3A_714 = arith.fptosi %mul3A_713 : vector<16xf32> to vector<16xi32>
          %add3A_715 = arith.constant 240 : i32
          %add3A_716 = vector.broadcast %add3A_715 : i32 to vector<16xi32>
          %add3A_717 = arith.addi %convert_element_type3A_714, %add3A_716 : vector<16xi32>
          %add3A_718 = arith.addi %add3A_717, %mul3A_3 : vector<16xi32>
          %gather3A_719 = tpu.vector_load_idx %arg9[%add3A_718] : memref<4880xf32, #tpu.memory_space<vmem>>[vector<16xi32>], vector<16xf32>,
          %mul3A_720 = arith.mulf %exp3A_575, %div3A_608 : vector<16xf32>
          %convert_element_type3A_721 = arith.fptosi %mul3A_720 : vector<16xf32> to vector<16xi32>
          %add3A_722 = arith.constant 256 : i32
          %add3A_723 = vector.broadcast %add3A_722 : i32 to vector<16xi32>
          %add3A_724 = arith.addi %convert_element_type3A_721, %add3A_723 : vector<16xi32>
          %add3A_725 = arith.addi %add3A_724, %mul3A_3 : vector<16xi32>
          %gather3A_726 = tpu.vector_load_idx %arg9[%add3A_725] : memref<4880xf32, #tpu.memory_space<vmem>>[vector<16xi32>], vector<16xf32>,
          %mul3A_727 = arith.mulf %exp3A_581, %div3A_608 : vector<16xf32>
          %convert_element_type3A_728 = arith.fptosi %mul3A_727 : vector<16xf32> to vector<16xi32>
          %add3A_729 = arith.constant 272 : i32
          %add3A_730 = vector.broadcast %add3A_729 : i32 to vector<16xi32>
          %add3A_731 = arith.addi %convert_element_type3A_728, %add3A_730 : vector<16xi32>
          %add3A_732 = arith.addi %add3A_731, %mul3A_3 : vector<16xi32>
          %gather3A_733 = tpu.vector_load_idx %arg9[%add3A_732] : memref<4880xf32, #tpu.memory_space<vmem>>[vector<16xi32>], vector<16xf32>,
          %mul3A_734 = arith.mulf %exp3A_587, %div3A_608 : vector<16xf32>
          %convert_element_type3A_735 = arith.fptosi %mul3A_734 : vector<16xf32> to vector<16xi32>
          %add3A_736 = arith.constant 288 : i32
          %add3A_737 = vector.broadcast %add3A_736 : i32 to vector<16xi32>
          %add3A_738 = arith.addi %convert_element_type3A_735, %add3A_737 : vector<16xi32>
          %add3A_739 = arith.addi %add3A_738, %mul3A_3 : vector<16xi32>
          %gather3A_740 = tpu.vector_load_idx %arg9[%add3A_739] : memref<4880xf32, #tpu.memory_space<vmem>>[vector<16xi32>], vector<16xf32>,
          %add3A_741 = arith.addf %gather3A, %gather3A_621 : vector<16xf32>
          %add3A_742 = arith.addf %gather3A_628, %gather3A_635 : vector<16xf32>
          %add3A_743 = arith.addf %gather3A_642, %gather3A_649 : vector<16xf32>
          %add3A_744 = arith.addf %gather3A_656, %gather3A_663 : vector<16xf32>
          %add3A_745 = arith.addf %gather3A_670, %gather3A_677 : vector<16xf32>
          %add3A_746 = arith.addf %gather3A_684, %gather3A_691 : vector<16xf32>
          %add3A_747 = arith.addf %gather3A_698, %gather3A_705 : vector<16xf32>
          %add3A_748 = arith.addf %gather3A_712, %gather3A_719 : vector<16xf32>
          %add3A_749 = arith.addf %gather3A_726, %gather3A_733 : vector<16xf32>
          %add3A_750 = arith.addf %add3A_741, %add3A_742 : vector<16xf32>
          %add3A_751 = arith.addf %add3A_743, %add3A_744 : vector<16xf32>
          %add3A_752 = arith.addf %add3A_745, %add3A_746 : vector<16xf32>
          %add3A_753 = arith.addf %add3A_747, %add3A_748 : vector<16xf32>
          %add3A_754 = arith.addf %add3A_749, %gather3A_740 : vector<16xf32>
          %add3A_755 = arith.addf %add3A_750, %add3A_751 : vector<16xf32>
          %add3A_756 = arith.addf %add3A_752, %add3A_753 : vector<16xf32>
          %add3A_757 = arith.addf %add3A_755, %add3A_756 : vector<16xf32>
          %add3A_758 = arith.addf %add3A_757, %add3A_754 : vector<16xf32>
          %eq3A_759 = arith.constant 0.000000e+00 : f32
          %eq3A_760 = vector.broadcast %eq3A_759 : f32 to vector<16xf32>
          %eq3A_761 = arith.cmpf oeq, %add3A_758, %eq3A_760 : vector<16xf32>
          %jit3A_762 = arith.constant 1.000000e+00 : f32
          %broadcast_in_dim3A = vector.broadcast %jit3A_762 : f32 to vector<16xf32>
          %select_n3A_763 = arith.select %eq3A_761, %broadcast_in_dim3A, %add3A_758 : vector<16xi1>, vector<16xf32>
          %div3A_764 = arith.constant 1.000000e+00 : f32
          %div3A_765 = vector.broadcast %div3A_764 : f32 to vector<16xf32>
          %div3A_766 = arith.divf %div3A_765, %select_n3A_763 : vector<16xf32>
          %mul3A_767 = arith.mulf %gather3A, %div3A_766 : vector<16xf32>
          %swap3A = arith.constant 0 : i32
          %swap3A_768 = arith.index_cast %swap3A : i32 to index
          %swap3A_769 = arith.index_cast %scan3A_467 : i32 to index
          %swap3A_770 = arith.index_cast %mul3A_475 : i32 to index
          %swap3A_771 = tpu.vector_load %arg8[%swap3A_768, %swap3A_769, %swap3A_770] {strides = array<i32>} : memref<19x2x512xf32, #tpu.memory_space<vmem>>, vector<16xf32>,
          tpu.vector_store %arg8[%swap3A_768, %swap3A_769, %swap3A_770], %mul3A_767 {strides = array<i32>} : memref<19x2x512xf32, #tpu.memory_space<vmem>>, vector<16xf32>,
          %mul3A_772 = arith.mulf %gather3A_621, %div3A_766 : vector<16xf32>
          %swap3A_773 = arith.constant 1 : i32
          %swap3A_774 = arith.index_cast %swap3A_773 : i32 to index
          %swap3A_775 = arith.index_cast %scan3A_467 : i32 to index
          %swap3A_776 = arith.index_cast %mul3A_475 : i32 to index
          %swap3A_777 = tpu.vector_load %arg8[%swap3A_774, %swap3A_775, %swap3A_776] {strides = array<i32>} : memref<19x2x512xf32, #tpu.memory_space<vmem>>, vector<16xf32>,
          tpu.vector_store %arg8[%swap3A_774, %swap3A_775, %swap3A_776], %mul3A_772 {strides = array<i32>} : memref<19x2x512xf32, #tpu.memory_space<vmem>>, vector<16xf32>,
          %mul3A_778 = arith.mulf %gather3A_628, %div3A_766 : vector<16xf32>
          %swap3A_779 = arith.constant 2 : i32
          %swap3A_780 = arith.index_cast %swap3A_779 : i32 to index
          %swap3A_781 = arith.index_cast %scan3A_467 : i32 to index
          %swap3A_782 = arith.index_cast %mul3A_475 : i32 to index
          %swap3A_783 = tpu.vector_load %arg8[%swap3A_780, %swap3A_781, %swap3A_782] {strides = array<i32>} : memref<19x2x512xf32, #tpu.memory_space<vmem>>, vector<16xf32>,
          tpu.vector_store %arg8[%swap3A_780, %swap3A_781, %swap3A_782], %mul3A_778 {strides = array<i32>} : memref<19x2x512xf32, #tpu.memory_space<vmem>>, vector<16xf32>,
          %mul3A_784 = arith.mulf %gather3A_635, %div3A_766 : vector<16xf32>
          %swap3A_785 = arith.constant 3 : i32
          %swap3A_786 = arith.index_cast %swap3A_785 : i32 to index
          %swap3A_787 = arith.index_cast %scan3A_467 : i32 to index
          %swap3A_788 = arith.index_cast %mul3A_475 : i32 to index
          %swap3A_789 = tpu.vector_load %arg8[%swap3A_786, %swap3A_787, %swap3A_788] {strides = array<i32>} : memref<19x2x512xf32, #tpu.memory_space<vmem>>, vector<16xf32>,
          tpu.vector_store %arg8[%swap3A_786, %swap3A_787, %swap3A_788], %mul3A_784 {strides = array<i32>} : memref<19x2x512xf32, #tpu.memory_space<vmem>>, vector<16xf32>,
          %mul3A_790 = arith.mulf %gather3A_642, %div3A_766 : vector<16xf32>
          %swap3A_791 = arith.constant 4 : i32
          %swap3A_792 = arith.index_cast %swap3A_791 : i32 to index
          %swap3A_793 = arith.index_cast %scan3A_467 : i32 to index
          %swap3A_794 = arith.index_cast %mul3A_475 : i32 to index
          %swap3A_795 = tpu.vector_load %arg8[%swap3A_792, %swap3A_793, %swap3A_794] {strides = array<i32>} : memref<19x2x512xf32, #tpu.memory_space<vmem>>, vector<16xf32>,
          tpu.vector_store %arg8[%swap3A_792, %swap3A_793, %swap3A_794], %mul3A_790 {strides = array<i32>} : memref<19x2x512xf32, #tpu.memory_space<vmem>>, vector<16xf32>,
          %mul3A_796 = arith.mulf %gather3A_649, %div3A_766 : vector<16xf32>
          %swap3A_797 = arith.constant 5 : i32
          %swap3A_798 = arith.index_cast %swap3A_797 : i32 to index
          %swap3A_799 = arith.index_cast %scan3A_467 : i32 to index
          %swap3A_800 = arith.index_cast %mul3A_475 : i32 to index
          %swap3A_801 = tpu.vector_load %arg8[%swap3A_798, %swap3A_799, %swap3A_800] {strides = array<i32>} : memref<19x2x512xf32, #tpu.memory_space<vmem>>, vector<16xf32>,
          tpu.vector_store %arg8[%swap3A_798, %swap3A_799, %swap3A_800], %mul3A_796 {strides = array<i32>} : memref<19x2x512xf32, #tpu.memory_space<vmem>>, vector<16xf32>,
          %mul3A_802 = arith.mulf %gather3A_656, %div3A_766 : vector<16xf32>
          %swap3A_803 = arith.constant 6 : i32
          %swap3A_804 = arith.index_cast %swap3A_803 : i32 to index
          %swap3A_805 = arith.index_cast %scan3A_467 : i32 to index
          %swap3A_806 = arith.index_cast %mul3A_475 : i32 to index
          %swap3A_807 = tpu.vector_load %arg8[%swap3A_804, %swap3A_805, %swap3A_806] {strides = array<i32>} : memref<19x2x512xf32, #tpu.memory_space<vmem>>, vector<16xf32>,
          tpu.vector_store %arg8[%swap3A_804, %swap3A_805, %swap3A_806], %mul3A_802 {strides = array<i32>} : memref<19x2x512xf32, #tpu.memory_space<vmem>>, vector<16xf32>,
          %mul3A_808 = arith.mulf %gather3A_663, %div3A_766 : vector<16xf32>
          %swap3A_809 = arith.constant 7 : i32
          %swap3A_810 = arith.index_cast %swap3A_809 : i32 to index
          %swap3A_811 = arith.index_cast %scan3A_467 : i32 to index
          %swap3A_812 = arith.index_cast %mul3A_475 : i32 to index
          %swap3A_813 = tpu.vector_load %arg8[%swap3A_810, %swap3A_811, %swap3A_812] {strides = array<i32>} : memref<19x2x512xf32, #tpu.memory_space<vmem>>, vector<16xf32>,
          tpu.vector_store %arg8[%swap3A_810, %swap3A_811, %swap3A_812], %mul3A_808 {strides = array<i32>} : memref<19x2x512xf32, #tpu.memory_space<vmem>>, vector<16xf32>,
          %mul3A_814 = arith.mulf %gather3A_670, %div3A_766 : vector<16xf32>
          %swap3A_815 = arith.constant 8 : i32
          %swap3A_816 = arith.index_cast %swap3A_815 : i32 to index
          %swap3A_817 = arith.index_cast %scan3A_467 : i32 to index
          %swap3A_818 = arith.index_cast %mul3A_475 : i32 to index
          %swap3A_819 = tpu.vector_load %arg8[%swap3A_816, %swap3A_817, %swap3A_818] {strides = array<i32>} : memref<19x2x512xf32, #tpu.memory_space<vmem>>, vector<16xf32>,
          tpu.vector_store %arg8[%swap3A_816, %swap3A_817, %swap3A_818], %mul3A_814 {strides = array<i32>} : memref<19x2x512xf32, #tpu.memory_space<vmem>>, vector<16xf32>,
          %mul3A_820 = arith.mulf %gather3A_677, %div3A_766 : vector<16xf32>
          %swap3A_821 = arith.constant 9 : i32
          %swap3A_822 = arith.index_cast %swap3A_821 : i32 to index
          %swap3A_823 = arith.index_cast %scan3A_467 : i32 to index
          %swap3A_824 = arith.index_cast %mul3A_475 : i32 to index
          %swap3A_825 = tpu.vector_load %arg8[%swap3A_822, %swap3A_823, %swap3A_824] {strides = array<i32>} : memref<19x2x512xf32, #tpu.memory_space<vmem>>, vector<16xf32>,
          tpu.vector_store %arg8[%swap3A_822, %swap3A_823, %swap3A_824], %mul3A_820 {strides = array<i32>} : memref<19x2x512xf32, #tpu.memory_space<vmem>>, vector<16xf32>,
          %mul3A_826 = arith.mulf %gather3A_684, %div3A_766 : vector<16xf32>
          %swap3A_827 = arith.constant 10 : i32
          %swap3A_828 = arith.index_cast %swap3A_827 : i32 to index
          %swap3A_829 = arith.index_cast %scan3A_467 : i32 to index
          %swap3A_830 = arith.index_cast %mul3A_475 : i32 to index
          %swap3A_831 = tpu.vector_load %arg8[%swap3A_828, %swap3A_829, %swap3A_830] {strides = array<i32>} : memref<19x2x512xf32, #tpu.memory_space<vmem>>, vector<16xf32>,
          tpu.vector_store %arg8[%swap3A_828, %swap3A_829, %swap3A_830], %mul3A_826 {strides = array<i32>} : memref<19x2x512xf32, #tpu.memory_space<vmem>>, vector<16xf32>,
          %mul3A_832 = arith.mulf %gather3A_691, %div3A_766 : vector<16xf32>
          %swap3A_833 = arith.constant 11 : i32
          %swap3A_834 = arith.index_cast %swap3A_833 : i32 to index
          %swap3A_835 = arith.index_cast %scan3A_467 : i32 to index
          %swap3A_836 = arith.index_cast %mul3A_475 : i32 to index
          %swap3A_837 = tpu.vector_load %arg8[%swap3A_834, %swap3A_835, %swap3A_836] {strides = array<i32>} : memref<19x2x512xf32, #tpu.memory_space<vmem>>, vector<16xf32>,
          tpu.vector_store %arg8[%swap3A_834, %swap3A_835, %swap3A_836], %mul3A_832 {strides = array<i32>} : memref<19x2x512xf32, #tpu.memory_space<vmem>>, vector<16xf32>,
          %mul3A_838 = arith.mulf %gather3A_698, %div3A_766 : vector<16xf32>
          %swap3A_839 = arith.constant 12 : i32
          %swap3A_840 = arith.index_cast %swap3A_839 : i32 to index
          %swap3A_841 = arith.index_cast %scan3A_467 : i32 to index
          %swap3A_842 = arith.index_cast %mul3A_475 : i32 to index
          %swap3A_843 = tpu.vector_load %arg8[%swap3A_840, %swap3A_841, %swap3A_842] {strides = array<i32>} : memref<19x2x512xf32, #tpu.memory_space<vmem>>, vector<16xf32>,
          tpu.vector_store %arg8[%swap3A_840, %swap3A_841, %swap3A_842], %mul3A_838 {strides = array<i32>} : memref<19x2x512xf32, #tpu.memory_space<vmem>>, vector<16xf32>,
          %mul3A_844 = arith.mulf %gather3A_705, %div3A_766 : vector<16xf32>
          %swap3A_845 = arith.constant 13 : i32
          %swap3A_846 = arith.index_cast %swap3A_845 : i32 to index
          %swap3A_847 = arith.index_cast %scan3A_467 : i32 to index
          %swap3A_848 = arith.index_cast %mul3A_475 : i32 to index
          %swap3A_849 = tpu.vector_load %arg8[%swap3A_846, %swap3A_847, %swap3A_848] {strides = array<i32>} : memref<19x2x512xf32, #tpu.memory_space<vmem>>, vector<16xf32>,
          tpu.vector_store %arg8[%swap3A_846, %swap3A_847, %swap3A_848], %mul3A_844 {strides = array<i32>} : memref<19x2x512xf32, #tpu.memory_space<vmem>>, vector<16xf32>,
          %mul3A_850 = arith.mulf %gather3A_712, %div3A_766 : vector<16xf32>
          %swap3A_851 = arith.constant 14 : i32
          %swap3A_852 = arith.index_cast %swap3A_851 : i32 to index
          %swap3A_853 = arith.index_cast %scan3A_467 : i32 to index
          %swap3A_854 = arith.index_cast %mul3A_475 : i32 to index
          %swap3A_855 = tpu.vector_load %arg8[%swap3A_852, %swap3A_853, %swap3A_854] {strides = array<i32>} : memref<19x2x512xf32, #tpu.memory_space<vmem>>, vector<16xf32>,
          tpu.vector_store %arg8[%swap3A_852, %swap3A_853, %swap3A_854], %mul3A_850 {strides = array<i32>} : memref<19x2x512xf32, #tpu.memory_space<vmem>>, vector<16xf32>,
          %mul3A_856 = arith.mulf %gather3A_719, %div3A_766 : vector<16xf32>
          %swap3A_857 = arith.constant 15 : i32
          %swap3A_858 = arith.index_cast %swap3A_857 : i32 to index
          %swap3A_859 = arith.index_cast %scan3A_467 : i32 to index
          %swap3A_860 = arith.index_cast %mul3A_475 : i32 to index
          %swap3A_861 = tpu.vector_load %arg8[%swap3A_858, %swap3A_859, %swap3A_860] {strides = array<i32>} : memref<19x2x512xf32, #tpu.memory_space<vmem>>, vector<16xf32>,
          tpu.vector_store %arg8[%swap3A_858, %swap3A_859, %swap3A_860], %mul3A_856 {strides = array<i32>} : memref<19x2x512xf32, #tpu.memory_space<vmem>>, vector<16xf32>,
          %mul3A_862 = arith.mulf %gather3A_726, %div3A_766 : vector<16xf32>
          %swap3A_863 = arith.constant 16 : i32
          %swap3A_864 = arith.index_cast %swap3A_863 : i32 to index
          %swap3A_865 = arith.index_cast %scan3A_467 : i32 to index
          %swap3A_866 = arith.index_cast %mul3A_475 : i32 to index
          %swap3A_867 = tpu.vector_load %arg8[%swap3A_864, %swap3A_865, %swap3A_866] {strides = array<i32>} : memref<19x2x512xf32, #tpu.memory_space<vmem>>, vector<16xf32>,
          tpu.vector_store %arg8[%swap3A_864, %swap3A_865, %swap3A_866], %mul3A_862 {strides = array<i32>} : memref<19x2x512xf32, #tpu.memory_space<vmem>>, vector<16xf32>,
          %mul3A_868 = arith.mulf %gather3A_733, %div3A_766 : vector<16xf32>
          %swap3A_869 = arith.constant 17 : i32
          %swap3A_870 = arith.index_cast %swap3A_869 : i32 to index
          %swap3A_871 = arith.index_cast %scan3A_467 : i32 to index
          %swap3A_872 = arith.index_cast %mul3A_475 : i32 to index
          %swap3A_873 = tpu.vector_load %arg8[%swap3A_870, %swap3A_871, %swap3A_872] {strides = array<i32>} : memref<19x2x512xf32, #tpu.memory_space<vmem>>, vector<16xf32>,
          tpu.vector_store %arg8[%swap3A_870, %swap3A_871, %swap3A_872], %mul3A_868 {strides = array<i32>} : memref<19x2x512xf32, #tpu.memory_space<vmem>>, vector<16xf32>,
          %mul3A_874 = arith.mulf %gather3A_740, %div3A_766 : vector<16xf32>
          %swap3A_875 = arith.constant 18 : i32
          %swap3A_876 = arith.index_cast %swap3A_875 : i32 to index
          %swap3A_877 = arith.index_cast %scan3A_467 : i32 to index
          %swap3A_878 = arith.index_cast %mul3A_475 : i32 to index
          %swap3A_879 = tpu.vector_load %arg8[%swap3A_876, %swap3A_877, %swap3A_878] {strides = array<i32>} : memref<19x2x512xf32, #tpu.memory_space<vmem>>, vector<16xf32>,
          tpu.vector_store %arg8[%swap3A_876, %swap3A_877, %swap3A_878], %mul3A_874 {strides = array<i32>} : memref<19x2x512xf32, #tpu.memory_space<vmem>>, vector<16xf32>,
        }
        %scan3A_472 = arith.constant 32 : i32
      }
      %scan3A_406 = arith.constant 2 : i32
      %mul3A_407 = arith.constant 32 : i32
      %mul3A_408 = arith.muli %add3A, %mul3A_407 : i32
      %add3A_409 = arith.addi %mul3A_408, %add3A_342 : i32
      %jit3A_410 = arith.constant 256 : i32
      %div3A_411 = arith.divsi %add3A_409, %jit3A_410 : i32
      %sign3A_412 = arith.constant 0 : i32
      %sign3A_413 = arith.cmpi sgt, %add3A_409, %sign3A_412 : i32
      %sign3A_414 = arith.extui %sign3A_413 : i1 to i32
      %sign3A_415 = arith.constant 0 : i32
      %sign3A_416 = arith.cmpi slt, %add3A_409, %sign3A_415 : i32
      %sign3A_417 = arith.extui %sign3A_416 : i1 to i32
      %sign3A_418 = arith.subi %sign3A_414, %sign3A_417 : i32
      %sign3A_419 = arith.constant 0 : i32
      %sign3A_420 = arith.cmpi sgt, %jit3A_410, %sign3A_419 : i32
      %sign3A_421 = arith.extui %sign3A_420 : i1 to i32
      %sign3A_422 = arith.constant 0 : i32
      %sign3A_423 = arith.cmpi slt, %jit3A_410, %sign3A_422 : i32
      %sign3A_424 = arith.extui %sign3A_423 : i1 to i32
      %sign3A_425 = arith.subi %sign3A_421, %sign3A_424 : i32
      %ne3A_426 = arith.cmpi ne, %sign3A_418, %sign3A_425 : i32
      %rem3A_427 = arith.remsi %add3A_409, %jit3A_410 : i32
      %ne3A_428 = arith.constant 0 : i32
      %ne3A_429 = arith.cmpi ne, %rem3A_427, %ne3A_428 : i32
      %and3A_430 = arith.andi %ne3A_426, %ne3A_429 : i1
      %sub3A_431 = arith.constant 1 : i32
      %sub3A_432 = arith.subi %div3A_411, %sub3A_431 : i32
      %select_n3A_433 = arith.select %and3A_430, %sub3A_432, %div3A_411 : i32
      %jit3A_434 = arith.constant 256 : i32
      %eq3A_435 = arith.constant 0 : i32
      %eq3A_436 = arith.cmpi eq, %jit3A_434, %eq3A_435 : i32
      %jit3A_437 = arith.constant 1 : i32
      %select_n3A_438 = arith.select %eq3A_436, %jit3A_437, %jit3A_434 : i32
      %rem3A_439 = arith.remsi %add3A_409, %select_n3A_438 : i32
      %ne3A_440 = arith.constant 0 : i32
      %ne3A_441 = arith.cmpi ne, %rem3A_439, %ne3A_440 : i32
      %lt3A_442 = arith.constant 0 : i32
      %lt3A_443 = arith.cmpi slt, %rem3A_439, %lt3A_442 : i32
      %lt3A_444 = arith.constant 0 : i32
      %lt3A_445 = arith.cmpi slt, %select_n3A_438, %lt3A_444 : i32
      %ne3A_446 = arith.xori %lt3A_443, %lt3A_445 : i1
      %and3A_447 = arith.andi %ne3A_446, %ne3A_441 : i1
      %add3A_448 = arith.addi %rem3A_439, %select_n3A_438 : i32
      %select_n3A_449 = arith.select %and3A_447, %add3A_448, %rem3A_439 : i32
      %mul3A_450 = arith.constant 2 : i32
      %mul3A_451 = arith.muli %select_n3A_449, %mul3A_450 : i32
      %dma_start3A_452 = arith.constant 0 : i32
      %dma_start3A_453 = arith.constant 0 : i32
      %dma_start3A_454 = tpu.memref_slice %arg4[%select_n3A_433, %dma_start3A_452, %mul3A_451, %dma_start3A_453] : memref<4x19x512x512xf32, #tpu.memory_space<hbm>> -> memref<1x19x2x512xf32, #tpu.memory_space<hbm>>
      %dma_start3A_455 = tpu.memref_squeeze %dma_start3A_454 : memref<1x19x2x512xf32, #tpu.memory_space<hbm>> -> memref<19x2x512xf32, #tpu.memory_space<hbm>>
      %dma_start3A_456 = arith.constant 0 : i32
      %dma_start3A_457 = arith.constant 0 : i32
      %dma_start3A_458 = tpu.memref_slice %arg4[%select_n3A_433, %dma_start3A_456, %mul3A_451, %dma_start3A_457] : memref<4x19x512x512xf32, #tpu.memory_space<hbm>> -> memref<1x19x2x512xf32, #tpu.memory_space<hbm>>
      %dma_start3A_459 = tpu.memref_squeeze %dma_start3A_458 : memref<1x19x2x512xf32, #tpu.memory_space<hbm>> -> memref<19x2x512xf32, #tpu.memory_space<hbm>>
      tpu.enqueue_dma source(%arg8 : memref<19x2x512xf32, #tpu.memory_space<vmem>>) target(%dma_start3A_459 : memref<19x2x512xf32, #tpu.memory_space<hbm>>) target_semaphore(%arg13 : memref<!tpu.dma_semaphore, #tpu.memory_space<semaphore_mem>>)
      %add3A_460 = arith.constant 2 : i32
      %add3A_461 = arith.addi %add3A_342, %add3A_460 : i32
      %lt3A_462 = arith.constant 32 : i32
      %lt3A_463 = arith.cmpi slt, %add3A_461, %lt3A_462 : i32
      %convert_element_type3A_464 = arith.extui %lt3A_463 : i1 to i32
      %cond3A_465 = arith.constant 0 : i32
      %cond3A_466 = arith.cmpi ne, %convert_element_type3A_464, %cond3A_465 : i32
      scf.if %cond3A_466 {
        %add3A_467 = arith.constant 2 : i32
        %add3A_468 = arith.addi %add3A_342, %add3A_467 : i32
        %mul3A_469 = arith.constant 32 : i32
        %mul3A_470 = arith.muli %add3A, %mul3A_469 : i32
        %add3A_471 = arith.addi %mul3A_470, %add3A_468 : i32
        %jit3A_472 = arith.constant 256 : i32
        %div3A_473 = arith.divsi %add3A_471, %jit3A_472 : i32
        %sign3A_474 = arith.constant 0 : i32
        %sign3A_475 = arith.cmpi sgt, %add3A_471, %sign3A_474 : i32
        %sign3A_476 = arith.extui %sign3A_475 : i1 to i32
        %sign3A_477 = arith.constant 0 : i32
        %sign3A_478 = arith.cmpi slt, %add3A_471, %sign3A_477 : i32
        %sign3A_479 = arith.extui %sign3A_478 : i1 to i32
        %sign3A_480 = arith.subi %sign3A_476, %sign3A_479 : i32
        %sign3A_481 = arith.constant 0 : i32
        %sign3A_482 = arith.cmpi sgt, %jit3A_472, %sign3A_481 : i32
        %sign3A_483 = arith.extui %sign3A_482 : i1 to i32
        %sign3A_484 = arith.constant 0 : i32
        %sign3A_485 = arith.cmpi slt, %jit3A_472, %sign3A_484 : i32
        %sign3A_486 = arith.extui %sign3A_485 : i1 to i32
        %sign3A_487 = arith.subi %sign3A_483, %sign3A_486 : i32
        %ne3A_488 = arith.cmpi ne, %sign3A_480, %sign3A_487 : i32
        %rem3A_489 = arith.remsi %add3A_471, %jit3A_472 : i32
        %ne3A_490 = arith.constant 0 : i32
        %ne3A_491 = arith.cmpi ne, %rem3A_489, %ne3A_490 : i32
        %and3A_492 = arith.andi %ne3A_488, %ne3A_491 : i1
        %sub3A_493 = arith.constant 1 : i32
        %sub3A_494 = arith.subi %div3A_473, %sub3A_493 : i32
        %select_n3A_495 = arith.select %and3A_492, %sub3A_494, %div3A_473 : i32
        %jit3A_496 = arith.constant 256 : i32
        %eq3A_497 = arith.constant 0 : i32
        %eq3A_498 = arith.cmpi eq, %jit3A_496, %eq3A_497 : i32
        %jit3A_499 = arith.constant 1 : i32
        %select_n3A_500 = arith.select %eq3A_498, %jit3A_499, %jit3A_496 : i32
        %rem3A_501 = arith.remsi %add3A_471, %select_n3A_500 : i32
        %ne3A_502 = arith.constant 0 : i32
        %ne3A_503 = arith.cmpi ne, %rem3A_501, %ne3A_502 : i32
        %lt3A_504 = arith.constant 0 : i32
        %lt3A_505 = arith.cmpi slt, %rem3A_501, %lt3A_504 : i32
        %lt3A_506 = arith.constant 0 : i32
        %lt3A_507 = arith.cmpi slt, %select_n3A_500, %lt3A_506 : i32
        %ne3A_508 = arith.xori %lt3A_505, %lt3A_507 : i1
        %and3A_509 = arith.andi %ne3A_508, %ne3A_503 : i1
        %add3A_510 = arith.addi %rem3A_501, %select_n3A_500 : i32
        %select_n3A_511 = arith.select %and3A_509, %add3A_510, %rem3A_501 : i32
        %mul3A_512 = arith.constant 2 : i32
        %mul3A_513 = arith.muli %select_n3A_511, %mul3A_512 : i32
        %dma_start3A_514 = arith.constant 0 : i32
        %dma_start3A_515 = arith.constant 0 : i32
        %dma_start3A_516 = tpu.memref_slice %arg2[%select_n3A_495, %dma_start3A_514, %mul3A_513, %dma_start3A_515] : memref<4x19x512x512xf32, #tpu.memory_space<hbm>> -> memref<1x19x2x512xf32, #tpu.memory_space<hbm>>
        %dma_start3A_517 = tpu.memref_squeeze %dma_start3A_516 : memref<1x19x2x512xf32, #tpu.memory_space<hbm>> -> memref<19x2x512xf32, #tpu.memory_space<hbm>>
        %dma_start3A_518 = arith.constant 0 : i32
        %dma_start3A_519 = arith.constant 0 : i32
        %dma_start3A_520 = tpu.memref_slice %arg2[%select_n3A_495, %dma_start3A_518, %mul3A_513, %dma_start3A_519] : memref<4x19x512x512xf32, #tpu.memory_space<hbm>> -> memref<1x19x2x512xf32, #tpu.memory_space<hbm>>
        %dma_start3A_521 = tpu.memref_squeeze %dma_start3A_520 : memref<1x19x2x512xf32, #tpu.memory_space<hbm>> -> memref<19x2x512xf32, #tpu.memory_space<hbm>>
        tpu.enqueue_dma source(%dma_start3A_521 : memref<19x2x512xf32, #tpu.memory_space<hbm>>) target(%arg6 : memref<19x2x512xf32, #tpu.memory_space<vmem>>) target_semaphore(%arg11 : memref<!tpu.dma_semaphore, #tpu.memory_space<semaphore_mem>>)
      } else {
      }
    }
    %scan3A_105 = arith.constant 16 : i32
    %mul3A_106 = arith.constant 32 : i32
    %mul3A_107 = arith.muli %add3A, %mul3A_106 : i32
    %add3A_108 = arith.constant 30 : i32
    %add3A_109 = arith.addi %mul3A_107, %add3A_108 : i32
    %jit3A_110 = arith.constant 256 : i32
    %div3A_111 = arith.divsi %add3A_109, %jit3A_110 : i32
    %sign3A_112 = arith.constant 0 : i32
    %sign3A_113 = arith.cmpi sgt, %add3A_109, %sign3A_112 : i32
    %sign3A_114 = arith.extui %sign3A_113 : i1 to i32
    %sign3A_115 = arith.constant 0 : i32
    %sign3A_116 = arith.cmpi slt, %add3A_109, %sign3A_115 : i32
    %sign3A_117 = arith.extui %sign3A_116 : i1 to i32
    %sign3A_118 = arith.subi %sign3A_114, %sign3A_117 : i32
    %sign3A_119 = arith.constant 0 : i32
    %sign3A_120 = arith.cmpi sgt, %jit3A_110, %sign3A_119 : i32
    %sign3A_121 = arith.extui %sign3A_120 : i1 to i32
    %sign3A_122 = arith.constant 0 : i32
    %sign3A_123 = arith.cmpi slt, %jit3A_110, %sign3A_122 : i32
    %sign3A_124 = arith.extui %sign3A_123 : i1 to i32
    %sign3A_125 = arith.subi %sign3A_121, %sign3A_124 : i32
    %ne3A_126 = arith.cmpi ne, %sign3A_118, %sign3A_125 : i32
    %rem3A_127 = arith.remsi %add3A_109, %jit3A_110 : i32
    %ne3A_128 = arith.constant 0 : i32
    %ne3A_129 = arith.cmpi ne, %rem3A_127, %ne3A_128 : i32
    %and3A_130 = arith.andi %ne3A_126, %ne3A_129 : i1
    %sub3A_131 = arith.constant 1 : i32
    %sub3A_132 = arith.subi %div3A_111, %sub3A_131 : i32
    %select_n3A_133 = arith.select %and3A_130, %sub3A_132, %div3A_111 : i32
    %jit3A_134 = arith.constant 256 : i32
    %eq3A_135 = arith.constant 0 : i32
    %eq3A_136 = arith.cmpi eq, %jit3A_134, %eq3A_135 : i32
    %jit3A_137 = arith.constant 1 : i32
    %select_n3A_138 = arith.select %eq3A_136, %jit3A_137, %jit3A_134 : i32
    %rem3A_139 = arith.remsi %add3A_109, %select_n3A_138 : i32
    %ne3A_140 = arith.constant 0 : i32
    %ne3A_141 = arith.cmpi ne, %rem3A_139, %ne3A_140 : i32
    %lt3A_142 = arith.constant 0 : i32
    %lt3A_143 = arith.cmpi slt, %rem3A_139, %lt3A_142 : i32
    %lt3A_144 = arith.constant 0 : i32
    %lt3A_145 = arith.cmpi slt, %select_n3A_138, %lt3A_144 : i32
    %ne3A_146 = arith.xori %lt3A_143, %lt3A_145 : i1
    %and3A_147 = arith.andi %ne3A_146, %ne3A_141 : i1
    %add3A_148 = arith.addi %rem3A_139, %select_n3A_138 : i32
    %select_n3A_149 = arith.select %and3A_147, %add3A_148, %rem3A_139 : i32
    %mul3A_150 = arith.constant 2 : i32
    %mul3A_151 = arith.muli %select_n3A_149, %mul3A_150 : i32
    %dma_wait3A = arith.constant 0 : i32
    %dma_wait3A_152 = arith.constant 0 : i32
    %dma_wait3A_153 = tpu.memref_slice %arg4[%select_n3A_133, %dma_wait3A, %mul3A_151, %dma_wait3A_152] : memref<4x19x512x512xf32, #tpu.memory_space<hbm>> -> memref<1x19x2x512xf32, #tpu.memory_space<hbm>>
    %dma_wait3A_154 = tpu.memref_squeeze %dma_wait3A_153 : memref<1x19x2x512xf32, #tpu.memory_space<hbm>> -> memref<19x2x512xf32, #tpu.memory_space<hbm>>
    %dma_wait3A_155 = arith.constant 0 : i32
    %dma_wait3A_156 = arith.constant 0 : i32
    %dma_wait3A_157 = tpu.memref_slice %arg4[%select_n3A_133, %dma_wait3A_155, %mul3A_151, %dma_wait3A_156] : memref<4x19x512x512xf32, #tpu.memory_space<hbm>> -> memref<1x19x2x512xf32, #tpu.memory_space<hbm>>
    %dma_wait3A_158 = tpu.memref_squeeze %dma_wait3A_157 : memref<1x19x2x512xf32, #tpu.memory_space<hbm>> -> memref<19x2x512xf32, #tpu.memory_space<hbm>>
    tpu.wait_dma2 semaphore(%arg12 : memref<!tpu.dma_semaphore, #tpu.memory_space<semaphore_mem>>) src(%arg7 : memref<19x2x512xf32, #tpu.memory_space<vmem>>) dst(%dma_wait3A_158 : memref<19x2x512xf32, #tpu.memory_space<hbm>>)
    %mul3A_159 = arith.constant 32 : i32
    %mul3A_160 = arith.muli %add3A, %mul3A_159 : i32
    %add3A_161 = arith.constant 31 : i32
    %add3A_162 = arith.addi %mul3A_160, %add3A_161 : i32
    %jit3A_163 = arith.constant 256 : i32
    %div3A_164 = arith.divsi %add3A_162, %jit3A_163 : i32
    %sign3A_165 = arith.constant 0 : i32
    %sign3A_166 = arith.cmpi sgt, %add3A_162, %sign3A_165 : i32
    %sign3A_167 = arith.extui %sign3A_166 : i1 to i32
    %sign3A_168 = arith.constant 0 : i32
    %sign3A_169 = arith.cmpi slt, %add3A_162, %sign3A_168 : i32
    %sign3A_170 = arith.extui %sign3A_169 : i1 to i32
    %sign3A_171 = arith.subi %sign3A_167, %sign3A_170 : i32
    %sign3A_172 = arith.constant 0 : i32
    %sign3A_173 = arith.cmpi sgt, %jit3A_163, %sign3A_172 : i32
    %sign3A_174 = arith.extui %sign3A_173 : i1 to i32
    %sign3A_175 = arith.constant 0 : i32
    %sign3A_176 = arith.cmpi slt, %jit3A_163, %sign3A_175 : i32
    %sign3A_177 = arith.extui %sign3A_176 : i1 to i32
    %sign3A_178 = arith.subi %sign3A_174, %sign3A_177 : i32
    %ne3A_179 = arith.cmpi ne, %sign3A_171, %sign3A_178 : i32
    %rem3A_180 = arith.remsi %add3A_162, %jit3A_163 : i32
    %ne3A_181 = arith.constant 0 : i32
    %ne3A_182 = arith.cmpi ne, %rem3A_180, %ne3A_181 : i32
    %and3A_183 = arith.andi %ne3A_179, %ne3A_182 : i1
    %sub3A_184 = arith.constant 1 : i32
    %sub3A_185 = arith.subi %div3A_164, %sub3A_184 : i32
    %select_n3A_186 = arith.select %and3A_183, %sub3A_185, %div3A_164 : i32
    %jit3A_187 = arith.constant 256 : i32
    %eq3A_188 = arith.constant 0 : i32
    %eq3A_189 = arith.cmpi eq, %jit3A_187, %eq3A_188 : i32
    %jit3A_190 = arith.constant 1 : i32
    %select_n3A_191 = arith.select %eq3A_189, %jit3A_190, %jit3A_187 : i32
    %rem3A_192 = arith.remsi %add3A_162, %select_n3A_191 : i32
    %ne3A_193 = arith.constant 0 : i32
    %ne3A_194 = arith.cmpi ne, %rem3A_192, %ne3A_193 : i32
    %lt3A_195 = arith.constant 0 : i32
    %lt3A_196 = arith.cmpi slt, %rem3A_192, %lt3A_195 : i32
    %lt3A_197 = arith.constant 0 : i32
    %lt3A_198 = arith.cmpi slt, %select_n3A_191, %lt3A_197 : i32
    %ne3A_199 = arith.xori %lt3A_196, %lt3A_198 : i1
    %and3A_200 = arith.andi %ne3A_199, %ne3A_194 : i1
    %add3A_201 = arith.addi %rem3A_192, %select_n3A_191 : i32
    %select_n3A_202 = arith.select %and3A_200, %add3A_201, %rem3A_192 : i32
    %mul3A_203 = arith.constant 2 : i32
    %mul3A_204 = arith.muli %select_n3A_202, %mul3A_203 : i32
    %dma_wait3A_205 = arith.constant 0 : i32
    %dma_wait3A_206 = arith.constant 0 : i32
    %dma_wait3A_207 = tpu.memref_slice %arg4[%select_n3A_186, %dma_wait3A_205, %mul3A_204, %dma_wait3A_206] : memref<4x19x512x512xf32, #tpu.memory_space<hbm>> -> memref<1x19x2x512xf32, #tpu.memory_space<hbm>>
    %dma_wait3A_208 = tpu.memref_squeeze %dma_wait3A_207 : memref<1x19x2x512xf32, #tpu.memory_space<hbm>> -> memref<19x2x512xf32, #tpu.memory_space<hbm>>
    %dma_wait3A_209 = arith.constant 0 : i32
    %dma_wait3A_210 = arith.constant 0 : i32
    %dma_wait3A_211 = tpu.memref_slice %arg4[%select_n3A_186, %dma_wait3A_209, %mul3A_204, %dma_wait3A_210] : memref<4x19x512x512xf32, #tpu.memory_space<hbm>> -> memref<1x19x2x512xf32, #tpu.memory_space<hbm>>
    %dma_wait3A_212 = tpu.memref_squeeze %dma_wait3A_211 : memref<1x19x2x512xf32, #tpu.memory_space<hbm>> -> memref<19x2x512xf32, #tpu.memory_space<hbm>>
    tpu.wait_dma2 semaphore(%arg13 : memref<!tpu.dma_semaphore, #tpu.memory_space<semaphore_mem>>) src(%arg8 : memref<19x2x512xf32, #tpu.memory_space<vmem>>) dst(%dma_wait3A_212 : memref<19x2x512xf32, #tpu.memory_space<hbm>>)
    return
  }
}

</mosaic_0001>

<sc_bundles>
// kernel: kernel.3.cloned.1.call-start
scs
__scs_entry_jumppad:
0x0: {  	(pc) =	sbr.rel $0x88, $3  }
0x1: {  	(tag) =	ssettag $0x0;
	lr =	simm.s32 $0x1  }
0x2: {  	[smem:$0x3F9F] =	sst lr;
	_ =	strace $0xD0000000  }
0x3: {  	_ = 	snop  }
0x4: {  	_ = 	snop  }
0x5: {  	_ = 	snop  }
0x6: {  	_ = 	snop  }
0x7: {  	_ = 	snop  }
__scs_overlays_trampoline_lowered:
0x8: {  	[smem:$0x3FAE] =	sst s0  }
0x9: {  	[smem:$0x3FAF] =	sst s1  }
0xa: {  	[smem:$0x3FB0] =	sst s2  }
0xb: {  	[smem:$0x3FB1] =	sst s3  }
0xc: {  	[smem:$0x3FB2] =	sst s4  }
0xd: {  	[smem:$0x3FB3] =	sst s5  }
0xe: {  	[smem:$0x3FB4] =	sst s6  }
0xf: {  	[smem:$0x3FB5] =	sst s7  }
0x10: {  	[smem:$0x3FB6] =	sst s8  }
0x11: {  	[smem:$0x3FB7] =	sst s9;
	s0 =	simm.s32 @!p0 $0x0  }
0x12: {  	s1 =	sld [smem:$0x3F9D];
	s0 =	simm.s32 @p0 $0x1  }
0x13: {  	[smem:$0x3FB8] =	sst s0;
	s0 =	simm.s32 @!p1 $0x0  }
0x14: {  	s2 =	sld [smem:$0x3F9C];
	s0 =	simm.s32 @p1 $0x1  }
0x15: {  	[smem:$0x3FB9] =	sst s0;
	s0 =	simm.s32 @!p2 $0x0  }
0x16: {  	s3 =	sld [smem:$0x3FDB];
	s0 =	simm.s32 @p2 $0x1  }
0x17: {  	s4 =	simm.s32 $0x1BF5;
	[smem:$0x3FBB] =	sst s0  }
0x18: {  	s0 =	sld [smem:$0x3F9E];
	_ =	swait.ge [sflag:s4], $0x0  }
0x19: {  	s7 =	sld [smem:$0x3F9F]  }
0x1a: {  	s8 =	sadd.s32 $0xFFFFE003, lr  }
0x1b: {  	s9 =	sadd.s32 $0xFFFFFEF7, lr;
	s5 =	simm.s32 $0xFFFFFFFF;
	p2 =	slt.u32 s8, $0xFFFFF086  }
0x1c: {  	p1 =	slt.u32 s9, $0xF7A;
	s5 =	simm.s32 @!p2 $0x0  }
0x1d: {  	s5 =	simm.s32 @p1 $0x1;
	p0 =	seq.s32 s7, s2  }
0x1e: {  	s7 =	smul.u32 @!p0 $0xF7A, s2;
	p2 =	seq.s32 @!p0 s5, $0x0  }
0x1f: {  	s9 =	smul.u32 $0xF7A, s1;
	s8 =	simm.s32 @!p0 $0x1BF5;
	p2 =	por !p2, p0  }
0x20: {  	[sflag:s8] =	ssyncset.s32 @!p0 $0xFFFFF086;
	s6 =	sadd.s32 @!p0 s3, s7;
	s7 =	simm.s32 @!p0 $0x108  }
0x21: {  	s3 =	sadd.s32 s3, s9;
	s6 =	sadd.s32 @!p0 $0x88, s6;
	s7 =	simm.s32 @p2 $0x1082  }
0x22: {  	[simem:s7], [sflag:s8] =	dma.local @!p0 [hbm:s6], $0xF7A  }
0x23: {  	s9 =	sor.u32 $0xD0000000, s2;
	s6 =	simm.s32 $0x108;
	_ =	swait.ge @!p0 [sflag:s8], $0x0  }
0x24: {  	s3 =	sadd.s32 $0x88, s3;
	s6 =	simm.s32 @!p1 $0x1082;
	[sflag:s4] =	ssyncset.s32 $0xFFFFF086  }
0x25: {  	[simem:s6], [sflag:s4] =	dma.local [hbm:s3], $0xF7A  }
0x26: {  	[smem:$0x3F9F] =	sst s1;
	(tag) =	ssettag s2;
	_ =	strace s9  }
0x27: {  	s1 =	sld [smem:$0x3FAF]  }
0x28: {  	s2 =	sld [smem:$0x3FB0]  }
0x29: {  	s4 =	sld [smem:$0x3FB2]  }
0x2a: {  	p0 =	seq.s32 s5, $0x0;
	s5 =	sld [smem:$0x3FB3]  }
0x2b: {  	s6 =	sld [smem:$0x3FB4]  }
0x2c: {  	s7 =	sld [smem:$0x3FB5]  }
0x2d: {  	s3 =	simm.s32 $0x108;
	s8 =	sld [smem:$0x3FB6]  }
0x2e: {  	s3 =	simm.s32 @!p0 $0x1082;
	s9 =	sld [smem:$0x3FB7]  }
0x2f: {  	lr =	sadd.s32 s0, s3;
	s0 =	sld [smem:$0x3FAE]  }
0x30: {  	s3 =	sld [smem:$0x3FB1]  }
0x31: {  	[smem:$0x3FBA] =	sst s10  }
0x32: {  	s10 =	sld [smem:$0x3FB8];
	_ =	sdelay $0x3  }
0x33: {  	p0 =	seq.s32 s10, $0x1;
	s10 =	sld [smem:$0x3FBA];
	_ =	sdelay $0x3  }
0x34: {  	[smem:$0x3FBA] =	sst s10  }
0x35: {  	s10 =	sld [smem:$0x3FB9];
	_ =	sdelay $0x3  }
0x36: {  	p1 =	seq.s32 s10, $0x1;
	s10 =	sld [smem:$0x3FBA];
	_ =	sdelay $0x3  }
0x37: {  	[smem:$0x3FBA] =	sst s10  }
0x38: {  	s10 =	sld [smem:$0x3FBB]  }
0x39: {  	_ = 	snop;
	(pc) =	sbr.ind lr, $3  }
0x3a: {  	_ = 	snop  }
0x3b: {  	_ = 	snop  }
0x3c: {  	p2 =	seq.s32 s10, $0x1;
	s10 =	sld [smem:$0x3FBA]  }
0x3d: {  	_ =	shalt  }
0x3e: {  	_ =	shalt  }
0x3f: {  	_ =	shalt  }
0x40: {  	_ =	shalt  }
0x41: {  	_ =	shalt  }
0x42: {  	_ =	shalt  }
0x43: {  	_ =	shalt  }
0x44: {  	_ =	shalt  }
0x45: {  	_ =	shalt  }
0x46: {  	_ =	shalt  }
0x47: {  	_ =	shalt  }
0x48: {  	_ =	shalt  }
0x49: {  	_ =	shalt  }
0x4a: {  	_ =	shalt  }
0x4b: {  	_ =	shalt  }
0x4c: {  	_ =	shalt  }
0x4d: {  	_ =	shalt  }
0x4e: {  	_ =	shalt  }
0x4f: {  	_ =	shalt  }
0x50: {  	_ =	shalt  }
0x51: {  	_ =	shalt  }
0x52: {  	_ =	shalt  }
0x53: {  	_ =	shalt  }
0x54: {  	_ =	shalt  }
0x55: {  	_ =	shalt  }
0x56: {  	_ =	shalt  }
0x57: {  	_ =	shalt  }
0x58: {  	_ =	shalt  }
0x59: {  	_ =	shalt  }
0x5a: {  	_ =	shalt  }
0x5b: {  	_ =	shalt  }
0x5c: {  	_ =	shalt  }
0x5d: {  	_ =	shalt  }
0x5e: {  	_ =	shalt  }
0x5f: {  	_ =	shalt  }
0x60: {  	_ =	shalt  }
0x61: {  	_ =	shalt  }
0x62: {  	_ =	shalt  }
0x63: {  	_ =	shalt  }
0x64: {  	_ =	shalt  }
0x65: {  	_ =	shalt  }
0x66: {  	_ =	shalt  }
0x67: {  	_ =	shalt  }
0x68: {  	_ =	shalt  }
0x69: {  	_ =	shalt  }
0x6a: {  	_ =	shalt  }
0x6b: {  	_ =	shalt  }
0x6c: {  	_ =	shalt  }
0x6d: {  	_ =	shalt  }
0x6e: {  	_ =	shalt  }
0x6f: {  	_ =	shalt  }
0x70: {  	_ =	shalt  }
0x71: {  	_ =	shalt  }
0x72: {  	_ =	shalt  }
0x73: {  	_ =	shalt  }
0x74: {  	_ =	shalt  }
0x75: {  	_ =	shalt  }
0x76: {  	_ =	shalt  }
0x77: {  	_ =	shalt  }
0x78: {  	_ =	shalt  }
0x79: {  	_ =	shalt  }
0x7a: {  	_ =	shalt  }
0x7b: {  	_ =	shalt  }
0x7c: {  	_ =	shalt  }
0x7d: {  	_ =	shalt  }
0x7e: {  	_ =	shalt  }
0x7f: {  	_ =	shalt  }
0x80: {  	_ =	shalt  }
0x81: {  	_ =	shalt  }
0x82: {  	_ =	shalt  }
0x83: {  	_ =	shalt  }
0x84: {  	_ =	shalt  }
0x85: {  	_ =	shalt  }
0x86: {  	_ =	shalt  }
0x87: {  	_ =	shalt  }
.Lfunc_end0:
.L_simem_size_0:
called_computation_lowered:
.L_overlay_start_0:
0x88: {  	s2 =	sld [smem:$0x3FD9]  }
0x89: {  	s3 =	sld [smem:$0x3FFE];
	_ =	sdelay $0x1  }
0x8a: {  	s1 =	srdreg.scid  }
0x8b: {  	s0 =	sand.u32 $0x1, s1  }
0x8c: {  	s17 =	sshll.u32 s0, $0xA;
	s2 =	sadd.s32 s3, s2  }
0x8d: {  	s2 =	sadd.s32 s2, s17  }
0x8e: {  	[smem:$0x3FC6] =	sst s2  }
0x8f: {  	_ = 	snop  }
0x90: {  	s2 =	sld [smem:$0x3FC9]  }
0x91: {  	s18 =	sld [smem:$0x3FD0];
	(tm) =	ssettm $0x1  }
0x92: {  	s4 =	sld [smem:$0x3FFB];
	_ =	sdelay $0x3  }
0x93: {  	_ =	strace s4  }
0x94: {  	s4 =	sld [smem:$0x3FFC];
	_ =	sdelay $0x3  }
0x95: {  	_ =	strace s4  }
0x96: {  	s4 =	sld [smem:$0x3FFD];
	_ =	sdelay $0x3  }
0x97: {  	_ =	strace s4  }
0x98: {  	_ =	strace $0x8FFFFFFF  }
0x99: {  	s19 =	sld [smem:$0x3FDB];
	_ =	sdelay $0x1  }
0x9a: {  	s5 =	simm.s32 $_scs_section_size  }
0x9b: {  	s6 =	simm.s32 $_size__tile_overlayer_lowered;
	s7 =	simm.s32 $_tile_overlayer_lowered  }
0x9c: {  	s22 =	simm.s32 $0x1BFF;
	s21 =	sshll.u32 s7, $0x1;
	s4 =	sadd.s32 s5, s19  }
0x9d: {  	s8 =	simm.s32 $0x0;
	s20 =	sshll.u32 s6, $0x1;
	s6 =	sadd.s32 s21, s4  }
0x9e: {  	[timem:s8], [sflag:s22] =	dma.local [hbm:s6], s20  }
0x9f: {  	_ =	swait.ge [sflag:s22], s20  }
0xa0: {  	s5 =	ssub.s32 $0x0, s20;
	[sflag:s22] =	ssyncset.done $0x0  }
0xa1: {  	[sflag:s22] =	ssyncadd.s32 s5;
	_ =	sdelay $0x1  }
0xa2: {  	s23 =	simm.s32 $0x1B8B  }
0xa3: {  	_ =	swait.ge [sflag:s23], $0x1  }
0xa4: {  	[sflag:s23] =	ssyncset.done $0x0  }
0xa5: {  	s25 =	simm.s32 $0x1B8E;
	s24 =	sld [smem:$0x3FFE];
	[sflag:s23] =	ssyncadd.s32 $0xFFFFFFFF  }
0xa6: {  	s26 =	simm.s32 $execute0_lowered;
	[smem:$0x3FD2] =	sst s25  }
0xa7: {  	s6 =	sshll.u32 s26, $0x1;
	_ =	strace $0x80000046;
	[dreg:$0x1] =	wrdreg $0xFFFFFFFF  }
0xa8: {  	s28 =	simm.s32 $_size_execute0_lowered;
	s4 =	sadd.s32 s4, s6;
	[dreg:$0x0] =	wrdreg $0x0  }
0xa9: {  	s6 =	sshll.u32 s28, $0x1;
	[dreg:$0x2] =	wrdreg s4  }
0xaa: {  	[dreg:$0x3] =	wrdreg s6  }
0xab: {  	[dreg:$0x4] =	wrdreg $0xC0  }
0xac: {  	_ =	task [dreg:s8], $0x5FFFF  }
0xad: {  	[dreg:$0x1] =	wrdreg $0xFFFFFFFF  }
0xae: {  	[dreg:$0x0] =	wrdreg $0x60  }
0xaf: {  	[dreg:$0x2] =	wrdreg s2  }
0xb0: {  	[dreg:$0x3] =	wrdreg s24  }
0xb1: {  	[dreg:$0x4] =	wrdreg s18  }
0xb2: {  	[dreg:$0x5] =	wrdreg $0x9  }
0xb3: {  	_ =	task.clear_ibuf [dreg:s8], $0x6FFFF;
	_ =	strace $0x90000046  }
0xb4: {  	s29 =	simm.s32 $0x9;
	_ =	strace $0x80000048  }
0xb5: {  	_ =	swait.ge [sflag:s29], $0x1  }
0xb6: {  	[sflag:s29] =	ssyncadd.s32 $0xFFFFFFFF  }
0xb7: {  	_ =	strace $0x90000048  }
0xb8: {  	_ =	sfence  }
0xb9: {  	s30 =	sld [smem:$0x0];
	_ =	sdelay $0x2  }
0xba: {  	s31 =	sshll.u32 s1, $0xD;
	s1 =	sshrl.u32 s1, $0x2  }
0xbb: {  	s3 =	sand.u32 $0x4000, s31;
	s1 =	sadd.s32 s1, s30  }
0xbc: {  	s0 =	sor.u32 s3, s0;
	s1 =	sshll.u32 s1, $0x11  }
0xbd: {  	s0 =	sor.u32 s1, s0  }
0xbe: {  	s0 =	sadd.s32 $0x8F2B, s0  }
0xbf: {  	[sflag:s0] =	ssyncadd.remote.s32 $0x1  }
0xc0: {  	_ =	sfence.sel $0xFFFF  }
0xc1: {  	[dreg:$0x0] =	wrdreg $0xFFFFFFFF;
	(pc) =	sbr.abs _section_cstart, $3  }
0xc2: {  	[dreg:$0x1] =	wrdreg $0xFFFFFFFF  }
0xc3: {  	_ =	task.clear_ibuf [dreg:s8], $0x2FFFF;
	_ =	strace $0x9FFFFFFF  }
0xc4: {  	(tm) =	ssettm $0x7FFFFFFF  }
0xc5: {  	_ =	shalt  }
tec
execute0_lowered:
.L_overlay_start_1:
0x0: {  	(tag) =	ssettag $0x1  }
0x1: {  	s1 =	srdreg.scid  }
0x2: {  	s0 =	stileid.u32;
	s8 =	rddreg [dreg:$0x1]  }
0x3: {  	s5 =	rddreg [dreg:$0x2];
	s6 =	simm.s32 $0x0;
	s13 =	simm.s32 $0x13000  }
0x4: {  	s14 =	simm.s32 $0x5;
	s15 =	simm.s32 $0x100;
	s16 =	simm.s32 $0x400  }
0x5: {  	v0 =	vlaneseq.u32;
	s17 =	simm.s32 $0x1;
	s18 =	simm.s32 $0x2;
	s7 =	sand.u32 $0x1, s1  }
0x6: {  	s19 =	simm.s32 $0x3;
	s2 =	sshll.u32 s0, $0x6;
	v46 =	vmul.u32 $0x131, v0;
	s3 =	sshll.u32 s7, $0x5  }
0x7: {  	s20 =	simm.s32 $0x4;
	s28 =	sshrl.u32 s0, $0x2;
	s2 =	sor.u32 s3, s2  }
0x8: {  	s1 =	rddreg [dreg:$0x0];
	s4 =	smul.u32 $0x4C0000, s28;
	v3 =	vadd.s32 $0x10, v46;
	v48 =	vadd.s32 $0x20, v46;
	v5 =	vadd.s32 $0x30, v46;
	s29 =	sshll.u32 s2, $0xA  }
0x9: {  	s21 =	simm.s32 $0x0;
	[smem:$0x7FF] =	sst s6;
	v6 =	vadd.s32 $0x40, v46;
	v7 =	vadd.s32 $0x50, v46;
	v8 =	vadd.s32 $0x60, v46;
	s9 =	sand.u32 $0x38000, s29  }
0xa: {  	s8 =	sadd.s32 $0x400, s8;
	s10 =	ssub.s32 $0x2, s7;
	v9 =	vadd.s32 $0x70, v46;
	v10 =	vadd.s32 $0x80, v46;
	v17 =	vadd.s32 $0x100, v46;
	s9 =	sor.u32 s4, s9  }
0xb: {  	_ =	strace $0x80000047;
	s31 =	sshrl.u32 s10, $0x1;
	v11 =	vadd.s32 $0x90, v46;
	v12 =	vadd.s32 $0xA0, v46;
	v16 =	vadd.s32 $0xE0, v46;
	[tilespmem:$0x1FFD0] =	vst v17;
	s30 =	sshrl.u32 s9, $0x3  }
0xc: {  	v13 =	vadd.s32 $0xB0, v46;
	v14 =	vadd.s32 $0xC0, v46;
	v15 =	vadd.s32 $0xD0, v46;
	s12 =	ssub.s32 s10, s31;
	s10 =	sand.u32 $0xE0, s2;
	[tilespmem:$0x1FFE0] =	vst v16;
	s7 =	sadd.s32 s1, s30  }
0xd: {  	v60 =	vadd.s32 $0xF0, v46;
	v18 =	vadd.s32 $0x110, v46;
	v4 =	vadd.s32 $0x120, v46;
	s11 =	sor.u32 $0x2, s2;
	[tilespmem:$0x1FFF0] =	vst v15;
	s12 =	smax.u32 s12, $0x1;
	s9 =	sadd.s32 $0x20, s7  }
.LBB2_1:
0xe: {  	[tilespmem:s13], [sflag:$0x5] =	stream.linear.gather [hbm4b:s8+s6], $0x1380, $0x38;
	[tilespmem:$0x14380] =	vst v63  }
0xf: {  	_ =	swait.ge [sflag:s14], $0x1380  }
0x10: {  	s22 =	simm.s32 $0x1000;
	s25 =	simm.s32 $0x0;
	[sflag:s14] =	ssyncset.done $0x0  }
0x11: {  	s23 =	sadd.s32 $0x8000, s7;
	s24 =	smov.u32 s7;
	[sflag:s14] =	ssyncadd.s32 $0xFFFFEC80  }
.LBB2_2:
0x12: {  	[tilespmem:s25], [sflag:$0x1] =	stream.strided.gather [hbm4b:s24+s15], $0x400, s16, s15, $0x38;
	[tilespmem:$0x14380] =	vst v63  }
0x13: {  	s25 =	smov.u32 s22;
	s24 =	smov.u32 s23;
	p0 =	sne.s32 s22, $0x12000  }
.Ltmp0:
0x14: {  	s22 =	sadd.s32 $0x1000, s22;
	(pc) =	sbr.rel @p0 .LBB2_2-.Ltmp0, $2  }
0x15: {  	_ =	sdelay $0x2  }
0x16: {  	s23 =	sadd.s32 $0x8000, s23;
	s25 =	sshra.s32 s25, $0x2  }
0x17: {  	[tilespmem:s25], [sflag:$0x1] =	stream.strided.gather [hbm4b:s24+s15], $0x400, s16, s15, $0x38;
	[tilespmem:$0x14380] =	vst v63  }
0x18: {  	s22 =	simm.s32 $0x4C00  }
0x19: {  	[tilespmem:s22], [sflag:$0x2] =	stream.strided.gather [hbm4b:s9+s15], $0x400, s16, s15, $0x38;
	[tilespmem:$0x14380] =	vst v63  }
0x1a: {  	s23 =	simm.s32 $0x1000;
	s24 =	smov.u32 s9;
	s22 =	simm.s32 $0x0  }
.LBB2_4:
0x1b: {  	p0 =	sne.s32 s23, $0x12000  }
.Ltmp1:
0x1c: {  	_ = 	snop;
	(pc) =	sbr.rel @p0 .LBB2_4-.Ltmp1, $4  }
0x1d: {  	_ = 	snop  }
0x1e: {  	s25 =	sshra.s32 s23, $0x2;
	s23 =	sadd.s32 $0x1000, s23  }
0x1f: {  	s24 =	sadd.s32 $0x8000, s24;
	s25 =	sadd.s32 $0x4C00, s25  }
0x20: {  	[tilespmem:s25], [sflag:$0x2] =	stream.strided.gather [hbm4b:s24+s15], $0x400, s16, s15, $0x38;
	[tilespmem:$0x14380] =	vst v63  }
.Ltmp2:
0x21: {  	_ = 	snop;
	(pc) =	sbr.rel .LBB2_5-.Ltmp2, $1  }
0x22: {  	_ =	sdelay $0x3  }
.LBB2_22:
0x23: {  	s3 =	sadd.s32 $0x3, s23  }
0x24: {  	s23 =	sadd.s32 s2, s3  }
0x25: {  	s24 =	sshrl.u32 s23, $0x8  }
0x26: {  	s23 =	sshll.u32 s23, $0xA;
	s24 =	smul.u32 $0x4C0000, s24  }
0x27: {  	s3 =	sshll.u32 s3, $0x8;
	s23 =	sand.u32 $0x3F000, s23  }
0x28: {  	s3 =	sand.u32 $0x300, s3;
	s23 =	sor.u32 s23, s24  }
0x29: {  	s3 =	sor.u32 s3, s23  }
0x2a: {  	s3 =	sshrl.u32 s3, $0x3  }
0x2b: {  	s31 =	simm.s32 $0x4C00;
	s24 =	simm.s32 $0x1000;
	s23 =	sadd.s32 s1, s3  }
0x2c: {  	[tilespmem:s31], [sflag:$0x2] =	stream.strided.gather [hbm4b:s23+s15], $0x400, s16, s15, $0x38;
	[tilespmem:$0x14380] =	vst v63  }
.LBB2_23:
0x2d: {  	p0 =	sne.s32 s24, $0x12000  }
.Ltmp3:
0x2e: {  	_ = 	snop;
	(pc) =	sbr.rel @p0 .LBB2_23-.Ltmp3, $4  }
0x2f: {  	_ = 	snop  }
0x30: {  	s3 =	sshra.s32 s24, $0x2;
	s24 =	sadd.s32 $0x1000, s24  }
0x31: {  	s23 =	sadd.s32 $0x8000, s23;
	s3 =	sadd.s32 $0x4C00, s3  }
0x32: {  	[tilespmem:s3], [sflag:$0x2] =	stream.strided.gather [hbm4b:s23+s15], $0x400, s16, s15, $0x38;
	[tilespmem:$0x14380] =	vst v63  }
0x33: {  	s22 =	sadd.s32 $0x1, s22  }
.LBB2_5:
0x34: {  	s23 =	sshll.u32 s22, $0x1;
	s25 =	sshll.u32 s22, $0x9;
	_ =	swait.ge [sflag:s17], $0x4C00  }
0x35: {  	p1 =	seq.s32 s22, $0x0;
	s24 =	sadd.s32 s10, s23;
	[sflag:s17] =	ssyncset.done $0x0  }
0x36: {  	s28 =	simm.s32 @!p1 $0x3;
	s24 =	sshll.u32 s24, $0xA;
	[sflag:s17] =	ssyncadd.s32 $0xFFFFB400  }
0x37: {  	p2 =	por $0x1, $0x1;
	s26 =	sand.u32 $0x3F000, s24;
	_ =	swait.ge @!p1 [sflag:s28], $0x4C00  }
0x38: {  	s24 =	sand.u32 $0x200, s25;
	s31 =	sor.u32 s26, s4;
	[sflag:s28] =	ssyncset.done @!p1 $0x0  }
0x39: {  	s26 =	simm.s32 $0x0;
	s25 =	sor.u32 s24, s31;
	[sflag:s28] =	ssyncadd.s32 @!p1 $0xFFFFB400  }
.LBB2_6:
0x3a: {  	p0 =	por p2, p2;
	s28 =	simm.s32 $0x0;
	s29 =	simm.s32 $0x0  }
.LBB2_7:
0x3b: {  	s30 =	sand.u32 $0x300, s28  }
0x3c: {  	s31 =	sand.u32 $0x70, s29;
	s30 =	sor.u32 s26, s30  }
0x3d: {  	s30 =	sor.u32 s31, s30  }
0x3e: {  	v19 =	vld [tilespmem:s30+$0x0];
	s31 =	sor.u32 $0x400, s30  }
0x3f: {  	s3 =	sor.u32 $0x800, s30;
	v20 =	vld [tilespmem:s31+$0x0]  }
0x40: {  	v21 =	vld [tilespmem:s3+$0x0];
	s3 =	sor.u32 $0xC00, s30  }
0x41: {  	v22 =	vld [tilespmem:s3+$0x0];
	s3 =	sor.u32 $0x1000, s30  }
0x42: {  	v23 =	vld [tilespmem:s3+$0x0];
	s3 =	sor.u32 $0x1400, s30  }
0x43: {  	v24 =	vld [tilespmem:s3+$0x0];
	s3 =	sor.u32 $0x1800, s30;
	v19 =	vmul.f32 $1.442695020e+00, v19  }
0x44: {  	v25 =	vld [tilespmem:s3+$0x0];
	s3 =	sor.u32 $0x1C00, s30;
	v20 =	vmul.f32 $1.442695020e+00, v20  }
0x45: {  	v45 =	vld [tilespmem:s3+$0x0];
	s3 =	sor.u32 $0x2000, s30;
	(erf) = vpow2.f32 v19;
	v19 =	vmul.f32 $1.442695020e+00, v21  }
0x46: {  	v47 =	vld [tilespmem:s3+$0x0];
	s3 =	sor.u32 $0x2400, s30;
	(erf) = vpow2.f32 v20;
	v20 =	vmul.f32 $1.442695020e+00, v22  }
0x47: {  	v49 =	vld [tilespmem:s3+$0x0];
	s3 =	sor.u32 $0x2800, s30;
	(erf) = vpow2.f32 v19;
	v19 =	vmul.f32 $1.442695020e+00, v23  }
0x48: {  	v50 =	vld [tilespmem:s3+$0x0];
	s3 =	sor.u32 $0x2C00, s30;
	(erf) = vpow2.f32 v20;
	v20 =	vmul.f32 $1.442695020e+00, v24  }
0x49: {  	v51 =	vld [tilespmem:s3+$0x0];
	s3 =	sor.u32 $0x3000, s30;
	(erf) = vpow2.f32 v19;
	v19 =	vmul.f32 $1.442695020e+00, v25  }
0x4a: {  	v52 =	vld [tilespmem:s3+$0x0];
	s3 =	sor.u32 $0x3400, s30;
	(erf) = vpow2.f32 v20;
	v20 =	vmul.f32 $1.442695020e+00, v45  }
0x4b: {  	v53 =	vld [tilespmem:s3+$0x0];
	s3 =	sor.u32 $0x3800, s30;
	(erf) = vpow2.f32 v19;
	v19 =	vmul.f32 $1.442695020e+00, v47  }
0x4c: {  	v54 =	vld [tilespmem:s3+$0x0];
	s3 =	sor.u32 $0x3C00, s30;
	(erf) = vpow2.f32 v20;
	v20 =	vmul.f32 $1.442695020e+00, v49  }
0x4d: {  	v55 =	vld [tilespmem:s3+$0x0];
	(erf) = vpow2.f32 v19;
	v19 =	vmul.f32 $1.442695020e+00, v50  }
0x4e: {  	s3 =	sor.u32 $0x4000, s30;
	v26 =	vpop (erf);
	(erf) = vpow2.f32 v20;
	v20 =	vmul.f32 $1.442695020e+00, v51  }
0x4f: {  	v57 =	vld [tilespmem:s3+$0x0];
	v56 =	vpop (erf);
	(erf) = vpow2.f32 v19;
	v19 =	vmul.f32 $1.442695020e+00, v52  }
0x50: {  	v27 =	vpop (erf);
	(erf) = vpow2.f32 v20;
	v20 =	vmul.f32 $1.442695020e+00, v53  }
0x51: {  	s3 =	sor.u32 $0x4400, s30;
	v28 =	vpop (erf);
	(erf) = vpow2.f32 v19;
	v19 =	vmul.f32 $1.442695020e+00, v54  }
0x52: {  	v58 =	vld [tilespmem:s3+$0x0];
	s3 =	sor.u32 $0x4800, s30;
	v59 =	vpop (erf);
	(erf) = vpow2.f32 v20;
	v20 =	vmul.f32 $1.442695020e+00, v55  }
0x53: {  	v61 =	vpop (erf);
	(erf) = vpow2.f32 v19;
	v19 =	vld [tilespmem:s3+$0x0]  }
0x54: {  	v29 =	vpop (erf);
	(erf) = vpow2.f32 v20;
	v20 =	vmul.f32 $1.442695020e+00, v57;
	_ =	sdelay $0x1  }
0x55: {  	v62 =	vpop (erf)  }
0x56: {  	v22 =	vmul.f32 $1.442695020e+00, v58;
	v30 =	vpop (erf)  }
0x57: {  	(erf) = vpow2.f32 v20;
	v20 =	vpop (erf);
	v19 =	vmul.f32 $1.442695020e+00, v19  }
0x58: {  	(erf) = vpow2.f32 v22;
	v63 =	vpop (erf)  }
0x59: {  	v31 =	vpop (erf)  }
0x5a: {  	(erf) = vpow2.f32 v19;
	v32 =	vpop (erf)  }
0x5b: {  	v33 =	vadd.f32 v56, v26;
	v34 =	vadd.f32 v28, v27;
	v19 =	vpop (erf)  }
0x5c: {  	v36 =	vadd.f32 v61, v59;
	v37 =	vadd.f32 v62, v29;
	v35 =	vpop (erf)  }
0x5d: {  	v39 =	vadd.f32 v20, v30;
	v40 =	vadd.f32 v31, v63;
	v38 =	vpop (erf)  }
0x5e: {  	v41 =	vadd.f32 v19, v32;
	v42 =	vadd.f32 v38, v35  }
0x5f: {  	v33 =	vadd.f32 v34, v33;
	v45 =	vadd.f32 v37, v36  }
0x60: {  	v49 =	vadd.f32 v40, v39;
	v43 =	vpop (erf);
	v50 =	vadd.f32 v42, v41  }
0x61: {  	v33 =	vadd.f32 v45, v33;
	v47 =	vpop (erf)  }
0x62: {  	v51 =	vadd.f32 v47, v43;
	v52 =	vadd.f32 v50, v49  }
0x63: {  	v53 =	vpop (erf)  }
0x64: {  	v54 =	vadd.f32 v53, v51;
	v33 =	vadd.f32 v52, v33;
	_ =	sdelay $0x1  }
0x65: {  	v33 =	vadd.f32 v54, v33;
	_ =	sdelay $0x1  }
0x66: {  	(erf) = vrcp.f32 v33;
	_ =	sdelay $0x8  }
0x67: {  	v33 =	vpop (erf)  }
0x68: {  	v33 =	vmul.f32 $1.500000000e+01, v33;
	_ =	sdelay $0x1  }
0x69: {  	v26 =	vmul.f32 v33, v26;
	v25 =	vmul.f32 v33, v56  }
0x6a: {  	v27 =	vmul.f32 v33, v27;
	v28 =	vmul.f32 v33, v28  }
0x6b: {  	v23 =	vmul.f32 v33, v59;
	v24 =	vmul.f32 v33, v61  }
0x6c: {  	v29 =	vmul.f32 v33, v29;
	v21 =	vmul.f32 v33, v62  }
0x6d: {  	v30 =	vmul.f32 v33, v30;
	v20 =	vmul.f32 v33, v20  }
0x6e: {  	v22 =	vmul.f32 v33, v63;
	v31 =	vmul.f32 v33, v31  }
0x6f: {  	v32 =	vmul.f32 v33, v32;
	v19 =	vmul.f32 v33, v19  }
0x70: {  	v55 =	vmul.f32 v33, v35;
	v56 =	vmul.f32 v33, v38  }
0x71: {  	v57 =	vmul.f32 v33, v43;
	v26 =	vtrunc.f32 v26  }
0x72: {  	v25 =	vtrunc.f32 v25;
	v26 =	vcvt.f32.s32 v26  }
0x73: {  	v27 =	vtrunc.f32 v27;
	v25 =	vcvt.f32.s32 v25  }
0x74: {  	v28 =	vtrunc.f32 v28;
	v27 =	vcvt.f32.s32 v27;
	v26 =	vadd.s32 v46, v26  }
0x75: {  	v23 =	vtrunc.f32 v23;
	v28 =	vcvt.f32.s32 v28;
	v25 =	vadd.s32 v3, v25  }
0x76: {  	v24 =	vtrunc.f32 v24;
	v23 =	vcvt.f32.s32 v23;
	v27 =	vadd.s32 v48, v27  }
0x77: {  	v29 =	vtrunc.f32 v29;
	v24 =	vcvt.f32.s32 v24;
	v28 =	vadd.s32 v5, v28  }
0x78: {  	v21 =	vtrunc.f32 v21;
	v29 =	vcvt.f32.s32 v29;
	v23 =	vadd.s32 v6, v23  }
0x79: {  	v30 =	vtrunc.f32 v30;
	v21 =	vcvt.f32.s32 v21;
	v24 =	vadd.s32 v7, v24;
	v26 =	vld.idx.msk [tilespmem:v26+s13+$0x0], $0xffff  }
0x7a: {  	v20 =	vtrunc.f32 v20;
	v30 =	vcvt.f32.s32 v30;
	v29 =	vadd.s32 v8, v29;
	v25 =	vld.idx.msk [tilespmem:v25+s13+$0x0], $0xffff  }
0x7b: {  	v22 =	vtrunc.f32 v22;
	v20 =	vcvt.f32.s32 v20;
	v21 =	vadd.s32 v9, v21;
	v27 =	vld.idx.msk [tilespmem:v27+s13+$0x0], $0xffff  }
0x7c: {  	v31 =	vtrunc.f32 v31;
	v22 =	vcvt.f32.s32 v22;
	v30 =	vadd.s32 v10, v30;
	v28 =	vld.idx.msk [tilespmem:v28+s13+$0x0], $0xffff  }
0x7d: {  	v32 =	vtrunc.f32 v32;
	v31 =	vcvt.f32.s32 v31;
	v20 =	vadd.s32 v11, v20;
	v23 =	vld.idx.msk [tilespmem:v23+s13+$0x0], $0xffff  }
0x7e: {  	v19 =	vtrunc.f32 v19;
	v32 =	vcvt.f32.s32 v32;
	v22 =	vadd.s32 v12, v22;
	v24 =	vld.idx.msk [tilespmem:v24+s13+$0x0], $0xffff  }
0x7f: {  	v34 =	vtrunc.f32 v55;
	v19 =	vcvt.f32.s32 v19;
	v31 =	vadd.s32 v13, v31;
	v29 =	vld.idx.msk [tilespmem:v29+s13+$0x0], $0xffff  }
0x80: {  	v35 =	vtrunc.f32 v56;
	v34 =	vcvt.f32.s32 v34;
	v32 =	vadd.s32 v14, v32;
	v21 =	vld.idx.msk [tilespmem:v21+s13+$0x0], $0xffff  }
0x81: {  	v36 =	vmul.f32 v33, v47;
	v35 =	vcvt.f32.s32 v35;
	v19 =	vadd.s32 v15, v19;
	v30 =	vld.idx.msk [tilespmem:v30+s13+$0x0], $0xffff  }
0x82: {  	v38 =	vtrunc.f32 v57;
	v34 =	vadd.s32 v16, v34;
	v20 =	vld.idx.msk [tilespmem:v20+s13+$0x0], $0xffff  }
0x83: {  	v36 =	vtrunc.f32 v36;
	v38 =	vcvt.f32.s32 v38;
	v35 =	vadd.s32 v60, v35;
	v22 =	vld.idx.msk [tilespmem:v22+s13+$0x0], $0xffff  }
0x84: {  	v33 =	vmul.f32 v33, v53;
	v36 =	vcvt.f32.s32 v36;
	v31 =	vld.idx.msk [tilespmem:v31+s13+$0x0], $0xffff  }
0x85: {  	v58 =	vadd.s32 v17, v38;
	v32 =	vld.idx.msk [tilespmem:v32+s13+$0x0], $0xffff  }
0x86: {  	v33 =	vtrunc.f32 v33;
	v36 =	vadd.s32 v18, v36;
	v19 =	vld.idx.msk [tilespmem:v19+s13+$0x0], $0xffff  }
0x87: {  	v33 =	vcvt.f32.s32 v33;
	v34 =	vld.idx.msk [tilespmem:v34+s13+$0x0], $0xffff  }
0x88: {  	v35 =	vld.idx.msk [tilespmem:v35+s13+$0x0], $0xffff  }
0x89: {  	v33 =	vadd.s32 v4, v33  }
0x8a: {  	v37 =	vld.idx.msk [tilespmem:v58+s13+$0x0], $0xffff;
	v59 =	vadd.f32 v25, v26;
	v61 =	vadd.f32 v28, v27  }
0x8b: {  	v36 =	vld.idx.msk [tilespmem:v36+s13+$0x0], $0xffff;
	v62 =	vadd.f32 v24, v23;
	v63 =	vadd.f32 v21, v29  }
0x8c: {  	v49 =	vadd.f32 v20, v30;
	v50 =	vadd.f32 v31, v22  }
0x8d: {  	v44 =	vadd.f32 v19, v32;
	v45 =	vadd.f32 v35, v34  }
0x8e: {  	v33 =	vld.idx.msk [tilespmem:v33+s13+$0x0], $0xffff;
	v38 =	vadd.f32 v61, v59;
	v51 =	vadd.f32 v63, v62  }
0x8f: {  	v52 =	vadd.f32 v50, v49;
	v53 =	vadd.f32 v45, v44  }
0x90: {  	v54 =	vadd.f32 v36, v37  }
0x91: {  	v38 =	vadd.f32 v51, v38;
	v55 =	vadd.f32 v53, v52;
	_ =	sdelay $0x1  }
0x92: {  	v56 =	vadd.f32 v33, v54;
	v38 =	vadd.f32 v55, v38;
	_ =	sdelay $0x1  }
0x93: {  	v38 =	vadd.f32 v56, v38;
	_ =	sdelay $0x1  }
0x94: {  	vm0 =	veq.f32 v38, $0.0e+00  }
0x95: {  	v38 =	vsel vm0, $0x3F800000, v38  }
0x96: {  	(erf) = vrcp.f32 v38;
	_ =	sdelay $0x8  }
0x97: {  	v38 =	vpop (erf)  }
0x98: {  	v26 =	vmul.f32 v38, v26  }
0x99: {  	v25 =	vmul.f32 v38, v25  }
0x9a: {  	v57 =	vmul.f32 v38, v27;
	[tilespmem:s30+$0x9800] =	vst v26  }
0x9b: {  	v58 =	vmul.f32 v38, v28;
	[tilespmem:s30+$0x9C00] =	vst v25  }
0x9c: {  	v23 =	vmul.f32 v38, v23;
	[tilespmem:s30+$0xA000] =	vst v57  }
0x9d: {  	v24 =	vmul.f32 v38, v24;
	[tilespmem:s30+$0xA400] =	vst v58  }
0x9e: {  	v59 =	vmul.f32 v38, v29;
	[tilespmem:s30+$0xA800] =	vst v23  }
0x9f: {  	v21 =	vmul.f32 v38, v21;
	[tilespmem:s30+$0xAC00] =	vst v24  }
0xa0: {  	v61 =	vmul.f32 v38, v30;
	[tilespmem:s30+$0xB000] =	vst v59  }
0xa1: {  	v20 =	vmul.f32 v38, v20;
	[tilespmem:s30+$0xB400] =	vst v21  }
0xa2: {  	v62 =	vmul.f32 v38, v22;
	[tilespmem:s30+$0xB800] =	vst v61  }
0xa3: {  	v63 =	vmul.f32 v38, v32;
	[tilespmem:s30+$0xBC00] =	vst v20  }
0xa4: {  	v20 =	vmul.f32 v38, v31;
	[tilespmem:s30+$0xC000] =	vst v62  }
0xa5: {  	v19 =	vmul.f32 v38, v19;
	[tilespmem:s30+$0xC800] =	vst v63  }
0xa6: {  	[tilespmem:s30+$0xC400] =	vst v20;
	v20 =	vmul.f32 v38, v34  }
0xa7: {  	p2 =	sne.s32 s29, $0x1F0;
	[tilespmem:s30+$0xCC00] =	vst v19;
	v19 =	vmul.f32 v38, v35  }
.Ltmp4:
0xa8: {  	[tilespmem:s30+$0xD000] =	vst v20;
	v20 =	vmul.f32 v38, v37;
	(pc) =	sbr.rel @p2 .LBB2_7-.Ltmp4, $4  }
0xa9: {  	[tilespmem:s30+$0xD400] =	vst v19;
	v19 =	vmul.f32 v38, v36  }
0xaa: {  	[tilespmem:s30+$0xD800] =	vst v20;
	v20 =	vmul.f32 v38, v33  }
0xab: {  	[tilespmem:s30+$0xDC00] =	vst v19  }
0xac: {  	s28 =	sadd.s32 $0x20, s28;
	s29 =	sadd.s32 $0x10, s29;
	[tilespmem:s30+$0xE000] =	vst v20  }
.Ltmp5:
0xad: {  	(pc) =	sbr.rel @p0 .LBB2_6-.Ltmp5, $2  }
0xae: {  	_ =	sdelay $0x2  }
0xaf: {  	s26 =	simm.s32 $0x80;
	p2 =	por $0x0, $0x0  }
0xb0: {  	s25 =	sshrl.u32 s25, $0x3  }
0xb1: {  	s26 =	simm.s32 $0x9800;
	s25 =	sadd.s32 s5, s25  }
0xb2: {  	[hbm4b:s25+s15] =	stream.strided.scatter [tilespmem:s26], [sflag:$0x3], $0x400, s16, s15, $0x38;
	[tilespmem:$0x14380] =	vst v63  }
0xb3: {  	s26 =	simm.s32 $0x1000  }
.LBB2_10:
0xb4: {  	p0 =	sne.s32 s26, $0x12000  }
.Ltmp6:
0xb5: {  	_ = 	snop;
	(pc) =	sbr.rel @p0 .LBB2_10-.Ltmp6, $4  }
0xb6: {  	_ = 	snop  }
0xb7: {  	s28 =	sshra.s32 s26, $0x2;
	s26 =	sadd.s32 $0x1000, s26  }
0xb8: {  	s25 =	sadd.s32 $0x8000, s25;
	s28 =	sadd.s32 $0x9800, s28  }
0xb9: {  	[hbm4b:s25+s15] =	stream.strided.scatter [tilespmem:s28], [sflag:$0x3], $0x400, s16, s15, $0x38;
	[tilespmem:$0x14380] =	vst v63  }
0xba: {  	p0 =	seq.s32 s22, $0xF  }
.Ltmp7:
0xbb: {  	_ = 	snop;
	(pc) =	sbr.rel @p0 .LBB2_15-.Ltmp7, $1  }
0xbc: {  	_ =	sdelay $0x3  }
0xbd: {  	s25 =	sadd.s32 s23, s11  }
0xbe: {  	s26 =	sshrl.u32 s25, $0x8  }
0xbf: {  	s28 =	sshll.u32 s25, $0xA;
	s26 =	smul.u32 $0x4C0000, s26  }
0xc0: {  	s25 =	sshll.u32 s25, $0x8;
	s28 =	sand.u32 $0x3F000, s28  }
0xc1: {  	s25 =	sand.u32 $0x200, s25;
	s26 =	sor.u32 s26, s28  }
0xc2: {  	s25 =	sor.u32 s25, s26  }
0xc3: {  	s25 =	sshrl.u32 s25, $0x3  }
0xc4: {  	s25 =	sadd.s32 s1, s25  }
0xc5: {  	s29 =	simm.s32 $0x0;
	s26 =	simm.s32 $0x1000;
	s28 =	sadd.s32 $0x8000, s25  }
.LBB2_13:
0xc6: {  	[tilespmem:s29], [sflag:$0x1] =	stream.strided.gather [hbm4b:s25+s15], $0x400, s16, s15, $0x38;
	[tilespmem:$0x14380] =	vst v63  }
0xc7: {  	s29 =	smov.u32 s26;
	s25 =	smov.u32 s28;
	p2 =	sne.s32 s26, $0x12000  }
.Ltmp8:
0xc8: {  	s26 =	sadd.s32 $0x1000, s26;
	(pc) =	sbr.rel @p2 .LBB2_13-.Ltmp8, $2  }
0xc9: {  	_ =	sdelay $0x2  }
0xca: {  	s28 =	sadd.s32 $0x8000, s28;
	s29 =	sshra.s32 s29, $0x2  }
0xcb: {  	[tilespmem:s29], [sflag:$0x1] =	stream.strided.gather [hbm4b:s25+s15], $0x400, s16, s15, $0x38;
	[tilespmem:$0x14380] =	vst v63  }
.LBB2_15:
0xcc: {  	_ =	swait.ge [sflag:s18], $0x4C00  }
0xcd: {  	s25 =	sadd.s32 s2, s23;
	[sflag:s18] =	ssyncset.done $0x0  }
0xce: {  	s26 =	simm.s32 @!p1 $0x4;
	s25 =	sshll.u32 s25, $0xA;
	[sflag:s18] =	ssyncadd.s32 $0xFFFFB400  }
0xcf: {  	p2 =	por $0x1, $0x1;
	s25 =	sand.u32 $0x3F000, s25;
	_ =	swait.ge @!p1 [sflag:s26], $0x4C00  }
0xd0: {  	s28 =	simm.s32 $0x0;
	s24 =	sor.u32 s25, s24;
	[sflag:s26] =	ssyncset.done @!p1 $0x0  }
0xd1: {  	s25 =	simm.s32 $0x0;
	s24 =	sor.u32 s4, s24;
	[sflag:s26] =	ssyncadd.s32 @!p1 $0xFFFFB400  }
.LBB2_16:
0xd2: {  	s26 =	sand.u32 $0x300, s25  }
0xd3: {  	s29 =	sand.u32 $0x70, s25;
	s26 =	sor.u32 s28, s26  }
0xd4: {  	s26 =	sor.u32 s29, s26  }
0xd5: {  	v19 =	vld [tilespmem:s26+$0x4C00]  }
0xd6: {  	v20 =	vld [tilespmem:s26+$0x5000]  }
0xd7: {  	v21 =	vld [tilespmem:s26+$0x5400]  }
0xd8: {  	v22 =	vld [tilespmem:s26+$0x5800]  }
0xd9: {  	v23 =	vld [tilespmem:s26+$0x5C00]  }
0xda: {  	v24 =	vld [tilespmem:s26+$0x6000]  }
0xdb: {  	v25 =	vld [tilespmem:s26+$0x6400];
	v19 =	vmul.f32 $1.442695020e+00, v19  }
0xdc: {  	v26 =	vld [tilespmem:s26+$0x6800];
	v20 =	vmul.f32 $1.442695020e+00, v20;
	v21 =	vmul.f32 $1.442695020e+00, v21  }
0xdd: {  	(erf) = vpow2.f32 v19;
	v19 =	vmul.f32 $1.442695020e+00, v22;
	v22 =	vld [tilespmem:s26+$0x6C00]  }
0xde: {  	(erf) = vpow2.f32 v20;
	v20 =	vmul.f32 $1.442695020e+00, v23;
	v23 =	vld [tilespmem:s26+$0x7000]  }
0xdf: {  	(erf) = vpow2.f32 v21;
	v21 =	vmul.f32 $1.442695020e+00, v24;
	v24 =	vld [tilespmem:s26+$0x7400]  }
0xe0: {  	(erf) = vpow2.f32 v19;
	v19 =	vmul.f32 $1.442695020e+00, v25;
	v25 =	vld [tilespmem:s26+$0x7800]  }
0xe1: {  	(erf) = vpow2.f32 v20;
	v20 =	vmul.f32 $1.442695020e+00, v26;
	v26 =	vld [tilespmem:s26+$0x7C00]  }
0xe2: {  	(erf) = vpow2.f32 v21;
	v21 =	vmul.f32 $1.442695020e+00, v22  }
0xe3: {  	v22 =	vld [tilespmem:s26+$0x8000];
	(erf) = vpow2.f32 v19;
	v19 =	vmul.f32 $1.442695020e+00, v23  }
0xe4: {  	v23 =	vld [tilespmem:s26+$0x8400];
	(erf) = vpow2.f32 v20;
	v20 =	vmul.f32 $1.442695020e+00, v24  }
0xe5: {  	v24 =	vld [tilespmem:s26+$0x8800];
	(erf) = vpow2.f32 v21;
	v21 =	vmul.f32 $1.442695020e+00, v25  }
0xe6: {  	v25 =	vpop (erf);
	(erf) = vpow2.f32 v19;
	v19 =	vmul.f32 $1.442695020e+00, v26;
	v26 =	vld [tilespmem:s26+$0x8C00]  }
0xe7: {  	v27 =	vpop (erf);
	(erf) = vpow2.f32 v20  }
0xe8: {  	v20 =	vmul.f32 $1.442695020e+00, v22;
	v22 =	vld [tilespmem:s26+$0x9000];
	v28 =	vpop (erf);
	(erf) = vpow2.f32 v21  }
0xe9: {  	v21 =	vmul.f32 $1.442695020e+00, v23;
	v30 =	vpop (erf);
	(erf) = vpow2.f32 v19  }
0xea: {  	v19 =	vmul.f32 $1.442695020e+00, v24;
	v24 =	vpop (erf);
	(erf) = vpow2.f32 v20  }
0xeb: {  	v20 =	vld [tilespmem:s26+$0x9400];
	v31 =	vpop (erf);
	(erf) = vpow2.f32 v21;
	v21 =	vmul.f32 $1.442695020e+00, v26  }
0xec: {  	v26 =	vpop (erf);
	(erf) = vpow2.f32 v19  }
0xed: {  	v19 =	vmul.f32 $1.442695020e+00, v22;
	v22 =	vpop (erf)  }
0xee: {  	v32 =	vpop (erf)  }
0xef: {  	(erf) = vpow2.f32 v21;
	v21 =	vpop (erf)  }
0xf0: {  	(erf) = vpow2.f32 v19;
	v19 =	vmul.f32 $1.442695020e+00, v20;
	v20 =	vpop (erf)  }
0xf1: {  	v33 =	vpop (erf)  }
0xf2: {  	(erf) = vpow2.f32 v19;
	v34 =	vpop (erf)  }
0xf3: {  	v23 =	vadd.f32 v27, v25;
	v29 =	vadd.f32 v30, v28;
	v36 =	vpop (erf)  }
0xf4: {  	v35 =	vadd.f32 v31, v24;
	v37 =	vadd.f32 v22, v26;
	v38 =	vpop (erf)  }
0xf5: {  	v39 =	vadd.f32 v21, v32;
	v40 =	vadd.f32 v33, v20;
	v19 =	vpop (erf)  }
0xf6: {  	v41 =	vadd.f32 v36, v34;
	v42 =	vadd.f32 v19, v38  }
0xf7: {  	v23 =	vadd.f32 v29, v23;
	v29 =	vadd.f32 v37, v35  }
0xf8: {  	v52 =	vadd.f32 v40, v39;
	v51 =	vpop (erf);
	v53 =	vadd.f32 v42, v41  }
0xf9: {  	v23 =	vadd.f32 v29, v23;
	v54 =	vpop (erf)  }
0xfa: {  	v55 =	vadd.f32 v54, v51;
	v29 =	vadd.f32 v53, v52  }
0xfb: {  	v56 =	vpop (erf)  }
0xfc: {  	v57 =	vadd.f32 v56, v55;
	v23 =	vadd.f32 v29, v23;
	_ =	sdelay $0x1  }
0xfd: {  	v23 =	vadd.f32 v57, v23;
	_ =	sdelay $0x1  }
0xfe: {  	(erf) = vrcp.f32 v23;
	_ =	sdelay $0x8  }
0xff: {  	v23 =	vpop (erf)  }
0x100: {  	v23 =	vmul.f32 $1.500000000e+01, v23;
	_ =	sdelay $0x1  }
0x101: {  	v35 =	vmul.f32 v23, v51  }
0x102: {  	v29 =	vmul.f32 v23, v56;
	v43 =	vmul.f32 v23, v25  }
0x103: {  	v39 =	vmul.f32 v23, v54;
	v42 =	vmul.f32 v23, v27  }
0x104: {  	v44 =	vmul.f32 v23, v28;
	v45 =	vmul.f32 v23, v30  }
0x105: {  	v28 =	vmul.f32 v23, v24;
	v27 =	vmul.f32 v23, v31  }
0x106: {  	v26 =	vmul.f32 v23, v26;
	v22 =	vmul.f32 v23, v22  }
0x107: {  	v24 =	vmul.f32 v23, v32;
	v21 =	vmul.f32 v23, v21  }
0x108: {  	v20 =	vmul.f32 v23, v20;
	v25 =	vmul.f32 v23, v38  }
0x109: {  	v31 =	vmul.f32 v23, v36;
	v58 =	vmul.f32 v23, v34  }
0x10a: {  	v30 =	vmul.f32 v23, v33;
	v25 =	vtrunc.f32 v25  }
0x10b: {  	v31 =	vtrunc.f32 v31;
	v32 =	vtrunc.f32 v58  }
0x10c: {  	v30 =	vtrunc.f32 v30;
	v25 =	vcvt.f32.s32 v25  }
0x10d: {  	v20 =	vtrunc.f32 v20;
	v31 =	vcvt.f32.s32 v31  }
0x10e: {  	v21 =	vtrunc.f32 v21;
	v32 =	vcvt.f32.s32 v32;
	v59 =	vadd.s32 v16, v25  }
0x10f: {  	v22 =	vtrunc.f32 v22;
	v25 =	vcvt.f32.s32 v30;
	v30 =	vadd.s32 v15, v31  }
0x110: {  	v63 =	vtrunc.f32 v27;
	v20 =	vcvt.f32.s32 v20;
	v61 =	vadd.s32 v14, v32  }
0x111: {  	v21 =	vcvt.f32.s32 v21;
	v31 =	vtrunc.f32 v24  }
0x112: {  	v22 =	vcvt.f32.s32 v22;
	v62 =	vcvt.f32.s32 v31  }
0x113: {  	v31 =	vtrunc.f32 v26;
	v24 =	vadd.s32 v13, v25;
	v25 =	vadd.s32 v12, v20;
	v20 =	vld.idx.msk [tilespmem:v59+s13+$0x0], $0xffff  }
0x114: {  	v32 =	vcvt.f32.s32 v63;
	v26 =	vadd.s32 v11, v21;
	v31 =	vcvt.f32.s32 v31;
	v21 =	vld.idx.msk [tilespmem:v30+s13+$0x0], $0xffff  }
0x115: {  	p1 =	por p2, p2;
	s30 =	simm.s32 $0x0;
	s29 =	simm.s32 $0x10;
	v27 =	vadd.s32 v10, v62;
	v30 =	vtrunc.f32 v28;
	v28 =	vadd.s32 v9, v22;
	v22 =	vld.idx.msk [tilespmem:v61+s13+$0x0], $0xffff  }
.LBB2_17:
0x116: {  	s30 =	sadd.s32 $0x20, s30  }
0x117: {  	s31 =	sand.u32 $0x300, s30  }
0x118: {  	s3 =	sand.u32 $0x70, s29;
	s31 =	sor.u32 s28, s31  }
0x119: {  	s31 =	sor.u32 s3, s31  }
0x11a: {  	v29 =	vtrunc.f32 v29;
	v61 =	vld [tilespmem:s31+$0x5000]  }
0x11b: {  	v29 =	vcvt.f32.s32 v29;
	v62 =	vld [tilespmem:s31+$0x5400]  }
0x11c: {  	v32 =	vadd.s32 v7, v32;
	v63 =	vld [tilespmem:s31+$0x5800]  }
0x11d: {  	v29 =	vadd.s32 v4, v29;
	v49 =	vld [tilespmem:s31+$0x5C00]  }
0x11e: {  	v33 =	vtrunc.f32 v45;
	v50 =	vld [tilespmem:s31+$0x6000]  }
0x11f: {  	v33 =	vcvt.f32.s32 v33;
	v51 =	vld [tilespmem:s31+$0x6400]  }
0x120: {  	v30 =	vcvt.f32.s32 v30;
	v52 =	vld [tilespmem:s31+$0x6800]  }
0x121: {  	v36 =	vtrunc.f32 v43;
	v55 =	vtrunc.f32 v39;
	v38 =	vadd.s32 v5, v33;
	v33 =	vld.idx.msk [tilespmem:v32+s13+$0x0], $0xffff  }
0x122: {  	v31 =	vadd.s32 v8, v31;
	v34 =	vtrunc.f32 v44;
	v53 =	vtrunc.f32 v42;
	v32 =	vld.idx.msk [tilespmem:v29+s13+$0x0], $0xffff  }
0x123: {  	v57 =	vcvt.f32.s32 v55;
	v34 =	vcvt.f32.s32 v34;
	v37 =	vadd.s32 v6, v30;
	v29 =	vld [tilespmem:s31+$0x4C00]  }
0x124: {  	v30 =	vcvt.f32.s32 v36;
	v54 =	vcvt.f32.s32 v53;
	v53 =	vld [tilespmem:s31+$0x6C00]  }
0x125: {  	v34 =	vadd.s32 v48, v34;
	v55 =	vld [tilespmem:s31+$0x7000]  }
0x126: {  	v58 =	vadd.s32 v18, v57;
	v56 =	vadd.s32 v46, v30;
	v57 =	vld [tilespmem:s31+$0x7400]  }
0x127: {  	v30 =	vld.idx.msk [tilespmem:v31+s13+$0x0], $0xffff;
	v31 =	vtrunc.f32 v35  }
0x128: {  	v31 =	vcvt.f32.s32 v31;
	v36 =	vld.idx.msk [tilespmem:v37+s13+$0x0], $0xffff;
	v29 =	vmul.f32 $1.442695020e+00, v29  }
0x129: {  	v19 =	vmul.f32 v23, v19;
	v37 =	vld.idx.msk [tilespmem:v38+s13+$0x0], $0xffff;
	v35 =	vmul.f32 $1.442695020e+00, v61  }
0x12a: {  	v59 =	vadd.s32 v17, v31;
	v38 =	vld.idx.msk [tilespmem:v34+s13+$0x0], $0xffff;
	v39 =	vmul.f32 $1.442695020e+00, v62;
	(erf) = vpow2.f32 v29  }
0x12b: {  	v40 =	vld.idx.msk [tilespmem:v56+s13+$0x0], $0xffff;
	v29 =	vmul.f32 $1.442695020e+00, v63;
	(erf) = vpow2.f32 v35  }
0x12c: {  	v41 =	vadd.s32 v3, v54;
	v31 =	vld.idx.msk [tilespmem:v58+s13+$0x0], $0xffff;
	v54 =	vmul.f32 $1.442695020e+00, v49;
	(erf) = vpow2.f32 v39  }
0x12d: {  	v56 =	vmul.f32 $1.442695020e+00, v50;
	v58 =	vld [tilespmem:s31+$0x7800];
	(erf) = vpow2.f32 v29  }
0x12e: {  	v61 =	vld [tilespmem:s31+$0x7C00];
	v29 =	vmul.f32 $1.442695020e+00, v51;
	(erf) = vpow2.f32 v54  }
0x12f: {  	v34 =	vld.idx.msk [tilespmem:v59+s13+$0x0], $0xffff;
	v59 =	vmul.f32 $1.442695020e+00, v52;
	(erf) = vpow2.f32 v56  }
0x130: {  	v47 =	vld [tilespmem:s31+$0x8000];
	v0 =	vmul.f32 $1.442695020e+00, v53;
	(erf) = vpow2.f32 v29  }
0x131: {  	v16 =	vmov v13;
	v62 =	vld [tilespmem:s31+$0x8400];
	v29 =	vmul.f32 $1.442695020e+00, v55;
	(erf) = vpow2.f32 v59  }
0x132: {  	v13 =	vmovc v10;
	v10 =	vmovc v7;
	v7 =	vmov v48;
	v48 =	vld [tilespmem:s31+$0x8800];
	v63 =	vmul.f32 $1.442695020e+00, v57;
	(erf) = vpow2.f32 v0  }
0x133: {  	v0 =	vmul.f32 $1.442695020e+00, v58;
	v39 =	vpop (erf);
	(erf) = vpow2.f32 v29  }
0x134: {  	v29 =	vmul.f32 $1.442695020e+00, v61;
	v42 =	vpop (erf);
	(erf) = vpow2.f32 v63  }
0x135: {  	v49 =	vld [tilespmem:s31+$0x8C00];
	v50 =	vmul.f32 $1.442695020e+00, v47;
	v54 =	vpop (erf);
	(erf) = vpow2.f32 v0  }
0x136: {  	v43 =	vmul.f32 $1.442695020e+00, v62;
	v51 =	vld [tilespmem:s31+$0x9000];
	v45 =	vpop (erf);
	(erf) = vpow2.f32 v29  }
0x137: {  	v29 =	vmul.f32 $1.442695020e+00, v48;
	v55 =	vpop (erf);
	(erf) = vpow2.f32 v50  }
0x138: {  	v56 =	vpop (erf);
	(erf) = vpow2.f32 v43  }
0x139: {  	v19 =	vtrunc.f32 v19;
	v17 =	vmov v14;
	v61 =	vld [tilespmem:s31+$0x9400];
	v57 =	vpop (erf);
	(erf) = vpow2.f32 v29  }
0x13a: {  	v14 =	vmov v11;
	v11 =	vmov v8;
	v62 =	vmul.f32 $1.442695020e+00, v49;
	v48 =	vpop (erf)  }
0x13b: {  	v8 =	vmov v5;
	v5 =	vmov v46;
	v29 =	vmul.f32 $1.442695020e+00, v51;
	v46 =	vpop (erf)  }
0x13c: {  	v63 =	vcvt.f32.s32 v19;
	(erf) = vpow2.f32 v62;
	v49 =	vpop (erf)  }
0x13d: {  	v26 =	vld.idx.msk [tilespmem:v26+s13+$0x0], $0xffff;
	(erf) = vpow2.f32 v29;
	v51 =	vpop (erf)  }
0x13e: {  	v27 =	vld.idx.msk [tilespmem:v27+s13+$0x0], $0xffff;
	v23 =	vadd.f32 v42, v39;
	v35 =	vadd.s32 v60, v63;
	v29 =	vmul.f32 $1.442695020e+00, v61;
	v50 =	vpop (erf)  }
0x13f: {  	v28 =	vld.idx.msk [tilespmem:v28+s13+$0x0], $0xffff;
	v0 =	vadd.f32 v56, v55;
	v44 =	vadd.f32 v48, v57;
	v47 =	vpop (erf)  }
0x140: {  	v58 =	vadd.f32 v49, v46;
	(erf) = vpow2.f32 v29;
	v29 =	vadd.f32 v45, v54;
	v52 =	vpop (erf)  }
0x141: {  	v24 =	vld.idx.msk [tilespmem:v24+s13+$0x0], $0xffff;
	v1 =	vadd.f32 v50, v51;
	v53 =	vpop (erf);
	v59 =	vadd.f32 v52, v47  }
0x142: {  	v25 =	vld.idx.msk [tilespmem:v25+s13+$0x0], $0xffff;
	v23 =	vadd.f32 v29, v23;
	v29 =	vadd.f32 v44, v0;
	v19 =	vpop (erf)  }
0x143: {  	v0 =	vadd.f32 v1, v58;
	v58 =	vld.idx.msk [tilespmem:v35+s13+$0x0], $0xffff;
	v61 =	vadd.f32 v19, v53  }
0x144: {  	v15 =	vmov v12;
	v41 =	vld.idx.msk [tilespmem:v41+s13+$0x0], $0xffff;
	v63 =	vadd.f32 v26, v27;
	v62 =	vadd.f32 v28, v30  }
0x145: {  	v12 =	vmov v9;
	v1 =	vadd.f32 v21, v22;
	v43 =	vpop (erf);
	v44 =	vadd.f32 v61, v59  }
0x146: {  	v9 =	vmov v6;
	v23 =	vadd.f32 v29, v23;
	v59 =	vpop (erf);
	v61 =	vadd.f32 v33, v36  }
0x147: {  	v6 =	vmovc v3;
	v3 =	vmovc v18;
	v18 =	vmov v60;
	v60 =	vadd.f32 v59, v43;
	v29 =	vadd.f32 v44, v0  }
0x148: {  	v2 =	vadd.f32 v58, v20;
	v0 =	vadd.f32 v24, v25  }
0x149: {  	v44 =	vpop (erf);
	v23 =	vadd.f32 v29, v23;
	v29 =	vadd.f32 v41, v40  }
0x14a: {  	v35 =	vadd.f32 v44, v60;
	v60 =	vadd.f32 v37, v38  }
0x14b: {  	v1 =	vadd.f32 v2, v1;
	v0 =	vadd.f32 v0, v63  }
0x14c: {  	v61 =	vadd.f32 v62, v61;
	v29 =	vadd.f32 v60, v29  }
0x14d: {  	v0 =	vadd.f32 v1, v0;
	v2 =	vadd.f32 v35, v23  }
0x14e: {  	v23 =	vadd.f32 v31, v34;
	v29 =	vadd.f32 v61, v29  }
0x14f: {  	(erf) = vrcp.f32 v2  }
0x150: {  	v1 =	vadd.f32 v32, v23;
	v0 =	vadd.f32 v0, v29;
	_ =	sdelay $0x1  }
0x151: {  	v0 =	vadd.f32 v1, v0;
	_ =	sdelay $0x1  }
0x152: {  	vm0 =	veq.f32 v0, $0.0e+00  }
0x153: {  	v0 =	vsel vm0, $0x3F800000, v0;
	_ =	sdelay $0x1  }
0x154: {  	(erf) = vrcp.f32 v0  }
0x155: {  	v0 =	vpop (erf)  }
0x156: {  	v23 =	vmul.f32 $1.500000000e+01, v0;
	_ =	sdelay $0x1  }
0x157: {  	v35 =	vmul.f32 v23, v43;
	v29 =	vmul.f32 v23, v44  }
0x158: {  	v43 =	vmul.f32 v23, v39;
	v39 =	vmul.f32 v23, v59  }
0x159: {  	v42 =	vmul.f32 v23, v42;
	v44 =	vmul.f32 v23, v54  }
0x15a: {  	v45 =	vmul.f32 v23, v45;
	v0 =	vmul.f32 v23, v55  }
0x15b: {  	v1 =	vmul.f32 v23, v56;
	v2 =	vmul.f32 v23, v57  }
0x15c: {  	v57 =	vmul.f32 v23, v48;
	v59 =	vmul.f32 v23, v49;
	v63 =	vpop (erf)  }
0x15d: {  	v61 =	vmul.f32 v23, v53;
	v40 =	vmul.f32 v63, v40  }
0x15e: {  	v62 =	vmul.f32 v23, v52;
	v41 =	vmul.f32 v63, v41  }
0x15f: {  	v2 =	vtrunc.f32 v2;
	v38 =	vmul.f32 v63, v38;
	[tilespmem:s26+$0xE400] =	vst v40  }
0x160: {  	v1 =	vtrunc.f32 v1;
	v37 =	vmul.f32 v63, v37;
	[tilespmem:s26+$0xE800] =	vst v41  }
0x161: {  	v36 =	vmul.f32 v63, v36;
	v33 =	vmul.f32 v63, v33;
	[tilespmem:s26+$0xEC00] =	vst v38  }
0x162: {  	v30 =	vmul.f32 v63, v30;
	v28 =	vmul.f32 v63, v28;
	[tilespmem:s26+$0xF000] =	vst v37  }
0x163: {  	v27 =	vmul.f32 v63, v27;
	v26 =	vmul.f32 v63, v26;
	[tilespmem:s26+$0xF400] =	vst v36  }
0x164: {  	v25 =	vmul.f32 v63, v25;
	v24 =	vmul.f32 v63, v24;
	[tilespmem:s26+$0xF800] =	vst v33  }
0x165: {  	v60 =	vmovc v18;
	v18 =	vmov v3;
	v22 =	vmul.f32 v63, v22;
	v21 =	vmul.f32 v63, v21;
	[tilespmem:s26+$0xFC00] =	vst v30  }
0x166: {  	v3 =	vmovc v6;
	v6 =	vmov v9;
	v20 =	vmul.f32 v63, v20;
	v56 =	vmul.f32 v63, v58;
	[tilespmem:s26+$0x10000] =	vst v28  }
0x167: {  	v48 =	vmovc v7;
	v7 =	vmov v10;
	v31 =	vmul.f32 v63, v31;
	v58 =	vmul.f32 v23, v46;
	[tilespmem:s26+$0x10400] =	vst v27  }
0x168: {  	v10 =	vmovc v13;
	v13 =	vmov v16;
	v16 =	vld [tilespmem:$0x1FFE0];
	v30 =	vmul.f32 v63, v34;
	v28 =	vmul.f32 v63, v32;
	[tilespmem:s26+$0x10800] =	vst v26  }
0x169: {  	v9 =	vmovc v12;
	v12 =	vmov v15;
	v15 =	vld [tilespmem:$0x1FFF0];
	v27 =	vmul.f32 v23, v51;
	v26 =	vmul.f32 v23, v50;
	[tilespmem:s26+$0x10C00] =	vst v25  }
0x16a: {  	v25 =	vmul.f32 v23, v47;
	v37 =	vtrunc.f32 v61;
	[tilespmem:s26+$0x11000] =	vst v24  }
0x16b: {  	v24 =	vtrunc.f32 v62;
	[tilespmem:s26+$0x11400] =	vst v22;
	v37 =	vcvt.f32.s32 v37  }
0x16c: {  	v46 =	vmov v5;
	[tilespmem:s26+$0x11800] =	vst v21;
	v24 =	vcvt.f32.s32 v24;
	v22 =	vtrunc.f32 v25  }
0x16d: {  	v5 =	vmovc v8;
	v8 =	vmovc v11;
	[tilespmem:s26+$0x12800] =	vst v31;
	v31 =	vcvt.f32.s32 v2;
	v22 =	vcvt.f32.s32 v22;
	v37 =	vadd.s32 v16, v37  }
0x16e: {  	v11 =	vmovc v14;
	v14 =	vmovc v17;
	[tilespmem:s26+$0x11C00] =	vst v20;
	v21 =	vtrunc.f32 v26;
	v20 =	vtrunc.f32 v27;
	v63 =	vadd.s32 v15, v24  }
0x16f: {  	p2 =	sne.s32 s29, $0x1F0;
	[tilespmem:s26+$0x12000] =	vst v56;
	v25 =	vtrunc.f32 v58;
	v21 =	vcvt.f32.s32 v21;
	v22 =	vadd.s32 v14, v22  }
.Ltmp9:
0x170: {  	[tilespmem:s26+$0x12400] =	vst v30;
	v24 =	vtrunc.f32 v59;
	v20 =	vcvt.f32.s32 v20;
	(pc) =	sbr.rel @p2 .LBB2_17-.Ltmp9, $4  }
0x171: {  	v17 =	vld [tilespmem:$0x1FFD0];
	[tilespmem:s26+$0x12C00] =	vst v28;
	v26 =	vcvt.f32.s32 v24;
	v24 =	vadd.s32 v13, v21;
	v21 =	vtrunc.f32 v57  }
0x172: {  	v27 =	vcvt.f32.s32 v25;
	v25 =	vadd.s32 v12, v20;
	v28 =	vcvt.f32.s32 v21;
	v20 =	vld.idx.msk [tilespmem:v37+s13+$0x0], $0xffff  }
0x173: {  	v32 =	vcvt.f32.s32 v1;
	v30 =	vtrunc.f32 v0;
	v21 =	vld.idx.msk [tilespmem:v63+s13+$0x0], $0xffff  }
0x174: {  	s29 =	sadd.s32 $0x10, s29;
	s26 =	smov.u32 s31;
	v27 =	vadd.s32 v10, v27;
	v26 =	vadd.s32 v11, v26;
	v28 =	vadd.s32 v9, v28;
	v22 =	vld.idx.msk [tilespmem:v22+s13+$0x0], $0xffff  }
0x175: {  	_ =	sdelay $0x2  }
0x176: {  	v0 =	vtrunc.f32 v45  }
0x177: {  	v1 =	vadd.s32 v8, v31;
	v2 =	vtrunc.f32 v44;
	v24 =	vld.idx.msk [tilespmem:v24+s13+$0x0], $0xffff;
	v50 =	vcvt.f32.s32 v30  }
0x178: {  	v47 =	vadd.s32 v7, v32;
	v49 =	vtrunc.f32 v43;
	v25 =	vld.idx.msk [tilespmem:v25+s13+$0x0], $0xffff;
	v0 =	vcvt.f32.s32 v0  }
0x179: {  	v26 =	vld.idx.msk [tilespmem:v26+s13+$0x0], $0xffff;
	v19 =	vmul.f32 v23, v19;
	v2 =	vcvt.f32.s32 v2;
	v23 =	vadd.s32 v6, v50  }
0x17a: {  	v33 =	vtrunc.f32 v42;
	v28 =	vld.idx.msk [tilespmem:v28+s13+$0x0], $0xffff;
	v32 =	vcvt.f32.s32 v49;
	v0 =	vadd.s32 v5, v0  }
0x17b: {  	v27 =	vld.idx.msk [tilespmem:v27+s13+$0x0], $0xffff;
	v33 =	vcvt.f32.s32 v33;
	v19 =	vtrunc.f32 v19;
	v2 =	vadd.s32 v48, v2  }
0x17c: {  	v51 =	vadd.s32 v46, v32;
	v19 =	vcvt.f32.s32 v19;
	v1 =	vld.idx.msk [tilespmem:v1+s13+$0x0], $0xffff  }
0x17d: {  	v34 =	vtrunc.f32 v35;
	v52 =	vadd.s32 v3, v33;
	v31 =	vld.idx.msk [tilespmem:v47+s13+$0x0], $0xffff  }
0x17e: {  	v53 =	vtrunc.f32 v39;
	v34 =	vcvt.f32.s32 v34;
	v19 =	vadd.s32 v60, v19;
	v23 =	vld.idx.msk [tilespmem:v23+s13+$0x0], $0xffff  }
0x17f: {  	v33 =	vcvt.f32.s32 v53;
	v0 =	vld.idx.msk [tilespmem:v0+s13+$0x0], $0xffff  }
0x180: {  	v34 =	vadd.s32 v17, v34;
	v2 =	vld.idx.msk [tilespmem:v2+s13+$0x0], $0xffff  }
0x181: {  	v29 =	vtrunc.f32 v29;
	v33 =	vadd.s32 v18, v33;
	v30 =	vld.idx.msk [tilespmem:v51+s13+$0x0], $0xffff  }
0x182: {  	v29 =	vcvt.f32.s32 v29;
	v32 =	vld.idx.msk [tilespmem:v52+s13+$0x0], $0xffff  }
0x183: {  	v19 =	vld.idx.msk [tilespmem:v19+s13+$0x0], $0xffff  }
0x184: {  	v29 =	vadd.s32 v4, v29  }
0x185: {  	v41 =	vadd.f32 v21, v22;
	v55 =	vadd.f32 v26, v27;
	v34 =	vld.idx.msk [tilespmem:v34+s13+$0x0], $0xffff  }
0x186: {  	v40 =	vadd.f32 v24, v25;
	v33 =	vld.idx.msk [tilespmem:v33+s13+$0x0], $0xffff;
	v38 =	vadd.f32 v28, v1  }
0x187: {  	v37 =	vadd.f32 v31, v23;
	v54 =	vadd.f32 v32, v30  }
0x188: {  	v36 =	vadd.f32 v0, v2;
	v56 =	vadd.f32 v19, v20  }
0x189: {  	v58 =	vadd.f32 v40, v55;
	v29 =	vld.idx.msk [tilespmem:v29+s13+$0x0], $0xffff;
	v57 =	vadd.f32 v38, v37  }
0x18a: {  	v35 =	vadd.f32 v36, v54;
	v59 =	vadd.f32 v56, v41  }
0x18b: {  	v61 =	vadd.f32 v33, v34  }
0x18c: {  	v35 =	vadd.f32 v57, v35;
	v62 =	vadd.f32 v59, v58;
	_ =	sdelay $0x1  }
0x18d: {  	v63 =	vadd.f32 v29, v61;
	v35 =	vadd.f32 v62, v35;
	_ =	sdelay $0x1  }
0x18e: {  	v35 =	vadd.f32 v63, v35;
	_ =	sdelay $0x1  }
0x18f: {  	vm0 =	veq.f32 v35, $0.0e+00  }
0x190: {  	v35 =	vsel vm0, $0x3F800000, v35  }
0x191: {  	(erf) = vrcp.f32 v35;
	_ =	sdelay $0x8  }
0x192: {  	v35 =	vpop (erf)  }
0x193: {  	v30 =	vmul.f32 v35, v30  }
0x194: {  	v32 =	vmul.f32 v35, v32  }
0x195: {  	v2 =	vmul.f32 v35, v2;
	[tilespmem:s26+$0xE400] =	vst v30  }
0x196: {  	v0 =	vmul.f32 v35, v0;
	[tilespmem:s26+$0xE800] =	vst v32  }
0x197: {  	v23 =	vmul.f32 v35, v23;
	[tilespmem:s26+$0xEC00] =	vst v2  }
0x198: {  	v2 =	vmul.f32 v35, v31;
	[tilespmem:s26+$0xF000] =	vst v0  }
0x199: {  	v0 =	vmul.f32 v35, v1;
	[tilespmem:s26+$0xF400] =	vst v23  }
0x19a: {  	v1 =	vmul.f32 v35, v28;
	[tilespmem:s26+$0xF800] =	vst v2  }
0x19b: {  	v2 =	vmul.f32 v35, v27;
	[tilespmem:s26+$0xFC00] =	vst v0  }
0x19c: {  	v0 =	vmul.f32 v35, v26;
	[tilespmem:s26+$0x10000] =	vst v1  }
0x19d: {  	v1 =	vmul.f32 v35, v25;
	[tilespmem:s26+$0x10400] =	vst v2  }
0x19e: {  	v2 =	vmul.f32 v35, v24;
	[tilespmem:s26+$0x10800] =	vst v0  }
0x19f: {  	v0 =	vmul.f32 v35, v22;
	[tilespmem:s26+$0x10C00] =	vst v1  }
0x1a0: {  	v1 =	vmul.f32 v35, v21;
	[tilespmem:s26+$0x11000] =	vst v2  }
0x1a1: {  	v2 =	vmul.f32 v35, v20;
	[tilespmem:s26+$0x11400] =	vst v0  }
0x1a2: {  	v0 =	vmul.f32 v35, v19;
	[tilespmem:s26+$0x11800] =	vst v1  }
.Ltmp10:
0x1a3: {  	v1 =	vmul.f32 v35, v34;
	[tilespmem:s26+$0x11C00] =	vst v2;
	(pc) =	sbr.rel @p1 .LBB2_16-.Ltmp10, $4  }
0x1a4: {  	v2 =	vmul.f32 v35, v33;
	[tilespmem:s26+$0x12000] =	vst v0  }
0x1a5: {  	v0 =	vmul.f32 v35, v29;
	[tilespmem:s26+$0x12400] =	vst v1  }
0x1a6: {  	[tilespmem:s26+$0x12800] =	vst v2  }
0x1a7: {  	s28 =	simm.s32 $0x80;
	p2 =	por $0x0, $0x0;
	[tilespmem:s26+$0x12C00] =	vst v0  }
0x1a8: {  	s3 =	sshrl.u32 s24, $0x3  }
0x1a9: {  	s3 =	sadd.s32 s3, s5  }
0x1aa: {  	s31 =	simm.s32 $0xE400;
	s25 =	simm.s32 $0x1000;
	s24 =	sadd.s32 $0x20, s3  }
0x1ab: {  	[hbm4b:s24+s15] =	stream.strided.scatter [tilespmem:s31], [sflag:$0x4], $0x400, s16, s15, $0x38;
	[tilespmem:$0x14380] =	vst v63  }
.LBB2_20:
0x1ac: {  	p1 =	sne.s32 s25, $0x12000  }
.Ltmp11:
0x1ad: {  	_ = 	snop;
	(pc) =	sbr.rel @p1 .LBB2_20-.Ltmp11, $4  }
0x1ae: {  	_ = 	snop  }
0x1af: {  	s3 =	sshra.s32 s25, $0x2;
	s25 =	sadd.s32 $0x1000, s25  }
0x1b0: {  	s24 =	sadd.s32 $0x8000, s24;
	s3 =	sadd.s32 $0xE400, s3  }
0x1b1: {  	[hbm4b:s24+s15] =	stream.strided.scatter [tilespmem:s3], [sflag:$0x4], $0x400, s16, s15, $0x38;
	[tilespmem:$0x14380] =	vst v63  }
.Ltmp12:
0x1b2: {  	(pc) =	sbr.rel @!p0 .LBB2_22-.Ltmp12, $1  }
0x1b3: {  	_ =	sdelay $0x3  }
0x1b4: {  	s21 =	sadd.s32 $0x1, s21  }
0x1b5: {  	_ =	swait.ge [sflag:s19], $0x4C00;
	p0 =	sne.s32 s21, s12  }
.Ltmp13:
0x1b6: {  	[sflag:s19] =	ssyncset.done $0x0;
	(pc) =	sbr.rel @p0 .LBB2_1-.Ltmp13, $4  }
0x1b7: {  	[sflag:s19] =	ssyncadd.s32 $0xFFFFB400  }
0x1b8: {  	_ =	swait.ge [sflag:s20], $0x4C00  }
0x1b9: {  	[sflag:s20] =	ssyncset.done $0x0  }
0x1ba: {  	[sflag:s20] =	ssyncadd.s32 $0xFFFFB400  }
0x1bb: {  	_ =	sfence.sel $0x180000  }
0x1bc: {  	[bflag:$0x0] =	sbarrier.arrive $0xFFFF  }
0x1bd: {  	_ =	strace $0x90000047  }
0x1be: {  	[bflag:$0x2] =	sbarrier.arrive $0xFFFF  }
0x1bf: {  	p0 =	sne.s32 s0, $0x0;
	s0 =	rddreg [dreg:$0x3]  }
0x1c0: {  	s0 =	sadd.s32 @!p0 $0x100000, s0  }
0x1c1: {  	[sflag:s0] =	ssyncadd.tile.s32 @!p0 $0x1;
	_ =	shalt  }
.Lfunc_end2:
_tile_overlayer_lowered:
.L_overlay_start_2:
0x1c2: {  	(tag) =	ssettag $0x2  }
0x1c3: {  	s0 =	rddreg [dreg:$0x0];
	s2 =	stileid.u32  }
0x1c4: {  	s1 =	rddreg [dreg:$0x1];
	p0 =	sne.s32 s2, $0x0  }
0x1c5: {  	s3 =	rddreg [dreg:$0x2];
	[bflag:$0x3] =	sbarrier.arrive $0xFFFF;
	s2 =	simm.s32 @!p0 $0x1C05  }
0x1c6: {  	[timem:s3], [sflag:s2] =	dma.local @!p0 [hbm:s0], s1  }
0x1c7: {  	s0 =	simm.s32 @!p0 $0x5  }
0x1c8: {  	_ =	swait.ge @!p0 [sflag:s0], s1  }
0x1c9: {  	s1 =	ssub.s32 @!p0 $0x0, s1;
	[sflag:s0] =	ssyncset.done @!p0 $0x0  }
0x1ca: {  	[sflag:s0] =	ssyncadd.s32 @!p0 s1  }
0x1cb: {  	[bflag:$0x3] =	sbarrier.arrive $0xFFFF  }
0x1cc: {  	_ =	shalt  }

</sc_bundles>
